<compile_context>
chip_gen: v7x
topology: tpu7x:2x2x1
jax: 0.10.2.dev20260603
libtpu: 0.0.44.dev20260713+nightly
codegen_flags: <defaults>
</compile_context>

<pallas_src>
import functools

import jax
import jax.numpy as jnp
from jax import lax
from jax.experimental import pallas as pl
from jax.experimental.pallas import tpu as pltpu
from jax.experimental.pallas import tpu_sc as plsc

_N = 100000
_E = 6400000
_NC = 2
_NS = 16
_NW = _NC * _NS
_L = 16

_IDXW = 128
_IDX_ROWS = 2 * _E // _IDXW
_ROWS_PER_W = _IDX_ROWS // _NW
_R = 25
_CHUNKS = _ROWS_PER_W // _R
_ENTRIES = _R * _IDXW
_STEPS = _ENTRIES // (2 * _L)

_MESH = plsc.VectorSubcoreMesh(core_axis_name="c", subcore_axis_name="s")


@functools.partial(
    pl.kernel,
    out_type=jax.ShapeDtypeStruct((_NW * _L,), jnp.float32),
    mesh=_MESH,
    compiler_params=pltpu.CompilerParams(needs_layout_passes=False,
                                         use_tc_tiling_on_sc=False),
    scratch_types=[
        pltpu.VMEM((_R, _IDXW), jnp.int32),
        pltpu.VMEM((_ENTRIES, 8), jnp.float32),
        pltpu.VMEM((20, 16), jnp.float32),
        pltpu.VMEM((_L,), jnp.float32),
        pltpu.SemaphoreType.DMA,
    ],
)
def _coulomb_sc(tbl_hbm, pairs_hbm, par_hbm, out_hbm,
                idx_v, rows_v, par_v, acc_v, sem):
    wid = lax.axis_index("s") * _NC + lax.axis_index("c")

    pltpu.sync_copy(par_hbm, par_v)
    binv = [par_v[r] for r in range(9)]
    boxm = [par_v[9 + r] for r in range(9)]
    cut2 = par_v[18]
    cutinv = par_v[19]

    lane = lax.iota(jnp.int32, _L)
    col = [jnp.full((_L,), k, jnp.int32) for k in range(4)]
    half = jnp.float32(0.5)
    one = jnp.float32(1.0)
    big_thresh = jnp.float32(8388608.0)

    def floor_f32(t):
        tf = t.astype(jnp.int32).astype(jnp.float32)
        fl = jnp.where(tf > t, tf - one, tf)
        return jnp.where(jnp.abs(t) >= big_thresh, t, fl)

    def chunk_body(c, acc):
        row0 = wid * _ROWS_PER_W + c * _R
        pltpu.sync_copy(pairs_hbm.at[pl.ds(row0, _R)], idx_v)
        copies = [
            pltpu.async_copy(tbl_hbm.at[idx_v.at[j]],
                             rows_v.at[pl.ds(j * _IDXW, _IDXW)], sem)
            for j in range(_R)
        ]
        for cp in copies:
            cp.wait()

        def step(s, acc):
            r_src = (s * _L + lane) * 2
            r_dst = r_src + 1
            sx = plsc.load_gather(rows_v, [r_src, col[0]])
            sy = plsc.load_gather(rows_v, [r_src, col[1]])
            sz = plsc.load_gather(rows_v, [r_src, col[2]])
            sq = plsc.load_gather(rows_v, [r_src, col[3]])
            dx = plsc.load_gather(rows_v, [r_dst, col[0]])
            dy = plsc.load_gather(rows_v, [r_dst, col[1]])
            dz = plsc.load_gather(rows_v, [r_dst, col[2]])
            dq = plsc.load_gather(rows_v, [r_dst, col[3]])

            drx = sx - dx
            dry = sy - dy
            drz = sz - dz
            dsx = drx * binv[0] + dry * binv[3] + drz * binv[6]
            dsy = drx * binv[1] + dry * binv[4] + drz * binv[7]
            dsz = drx * binv[2] + dry * binv[5] + drz * binv[8]
            wx = dsx - floor_f32(dsx + half)
            wy = dsy - floor_f32(dsy + half)
            wz = dsz - floor_f32(dsz + half)
            px = wx * boxm[0] + wy * boxm[3] + wz * boxm[6]
            py = wx * boxm[1] + wy * boxm[4] + wz * boxm[7]
            pz = wx * boxm[2] + wy * boxm[5] + wz * boxm[8]
            d2 = px * px + py * py + pz * pz

            yi = 0x5F3759DF - (plsc.bitcast(d2, jnp.int32) >> 1)
            y = plsc.bitcast(yi, jnp.float32)
            y = y * (jnp.float32(1.5) - half * d2 * y * y)
            y = y * (jnp.float32(1.5) - half * d2 * y * y)
            y = y * (jnp.float32(1.5) - half * d2 * y * y)

            ene = sq * dq * (y - cutinv)
            ene = jnp.where(d2 <= cut2, ene, jnp.float32(0.0))
            return acc + ene

        return lax.fori_loop(0, _STEPS, step, acc)

    acc = lax.fori_loop(0, _CHUNKS, chunk_body,
                        jnp.zeros((_L,), jnp.float32))
    acc_v[...] = acc
    pltpu.sync_copy(acc_v, out_hbm.at[pl.ds(wid * _L, _L)])


def kernel(coords, pairs, box, charges, prefac, cutoff):
    boxinv = jnp.linalg.inv(box)
    tbl = jnp.concatenate(
        [coords, charges[:, None], jnp.zeros((_N, 4), jnp.float32)], axis=1)
    pairs2d = pairs.reshape(-1).astype(jnp.int32).reshape(_IDX_ROWS, _IDXW)
    par = jnp.zeros((20, 16), jnp.float32)
    par = par.at[0:9].set(jnp.broadcast_to(boxinv.reshape(9)[:, None], (9, 16)))
    par = par.at[9:18].set(jnp.broadcast_to(box.reshape(9)[:, None], (9, 16)))
    par = par.at[18].set(jnp.broadcast_to(cutoff * cutoff, (16,)))
    par = par.at[19].set(jnp.broadcast_to(1.0 / cutoff, (16,)))
    partials = _coulomb_sc(tbl, pairs2d, par)
    return jnp.sum(partials) * prefac

# --- scband reference (transcript-rebuilt; emitter-appended) ---
"""Pipeline reference for scband-coulomb-37022618091781 (READ-ONLY COPY).

The authoritative reference and input builder live on the scoring server;
editing this copy changes nothing except your own understanding.
"""

import jax, jax.numpy as jnp
import numpy as np

N = 100000
E = 6400000


def setup_inputs(seed: int = 0) -> dict:
    key = jax.random.key(seed)
    k1, k2, k3, k4, k5 = jax.random.split(key, 5)
    coords = jax.random.normal(k1, (N, 3), dtype=jnp.float32)
    # pairs: random endpoints, guaranteed i != j to avoid dr == 0 singularities
    src = jax.random.randint(k2, (E,), 0, N)
    off = jax.random.randint(k3, (E,), 1, N)
    dst = (src + off) % N
    pairs = jnp.stack([src, dst], axis=1)
    box = jax.random.normal(k4, (3, 3), dtype=jnp.float32)
    charges = jax.random.normal(k5, (N,), dtype=jnp.float32)
    prefac = jnp.ones((), dtype=jnp.float32)
    cutoff = jnp.ones((), dtype=jnp.float32)
    return {"coords": coords, "pairs": pairs, "box": box,
            "charges": charges, "prefac": prefac, "cutoff": cutoff}


def reference(coords, pairs, box, charges, prefac, cutoff):
    # do_shift=True (default in the torch module)
    drVecs = coords[pairs[:, 0]] - coords[pairs[:, 1]]
    boxInv = jnp.linalg.inv(box)
    dsVecs = jnp.matmul(drVecs, boxInv)
    dsVecsPBC = dsVecs - jnp.floor(dsVecs + 0.5)
    drVecsPBC = jnp.matmul(dsVecsPBC, box)
    dr = jnp.linalg.norm(drVecsPBC, axis=1)
    mask = (dr <= cutoff).astype(drVecsPBC.dtype)
    rinv = 1.0 / dr
    rinv = rinv - 1.0 / cutoff
    ene = charges[pairs[:, 0]] * charges[pairs[:, 1]] * rinv
    return jnp.sum(ene * mask) * prefac

if __name__ == "__main__":
    import jax
    _d = setup_inputs()
    print(jax.jit(kernel)(*tuple(_d.values())))

</pallas_src>

<mosaic_0001>
#map = affine_map<(d0, d1) -> (0, 0)>
#map1 = affine_map<(d0, d1) -> (0)>
module attributes {stable_mosaic.version = 14 : i64} {
  func.func @_coulomb_sc(%arg0: i32, %arg1: i32, %arg2: memref<100000x8xf32, #tpu.memory_space<hbm>>, %arg3: memref<100000x128xi32, #tpu.memory_space<hbm>>, %arg4: memref<20x16xf32, #tpu.memory_space<hbm>>, %arg5: memref<512xf32, #tpu.memory_space<hbm>>, %arg6: memref<25x128xi32, #tpu.memory_space<vmem>>, %arg7: memref<3200x8xf32, #tpu.memory_space<vmem>>, %arg8: memref<20x16xf32, #tpu.memory_space<vmem>>, %arg9: memref<16xf32, #tpu.memory_space<vmem>>, %arg10: memref<!tpu.dma_semaphore, #tpu.memory_space<semaphore_mem>>) attributes {dimension_semantics = [#tpu.dimension_semantics<core_parallel>, #tpu.dimension_semantics<subcore_parallel>], iteration_bounds = array<i64: 2, 16>, scalar_prefetch = 0 : i64, scratch_operands = 5 : i64, tpu.core_type = #tpu.core_type<sc_vector_subcore>, window_params = [{transform_indices = #map}, {transform_indices = #map}, {transform_indices = #map}, {transform_indices = #map1}]} {
    %mul3A = arith.constant 2 : i32
    %mul3A_0 = arith.muli %arg1, %mul3A : i32
    %add3A = arith.addi %mul3A_0, %arg0 : i32
    "tpu.region"() ({
      %run_scoped3A = tpu.sem_alloc : memref<!tpu.dma_semaphore, #tpu.memory_space<semaphore_mem>>
      tpu.enqueue_dma source(%arg4 : memref<20x16xf32, #tpu.memory_space<hbm>>) target(%arg8 : memref<20x16xf32, #tpu.memory_space<vmem>>) target_semaphore(%run_scoped3A : memref<!tpu.dma_semaphore, #tpu.memory_space<semaphore_mem>>)
      tpu.wait_dma2 semaphore(%run_scoped3A : memref<!tpu.dma_semaphore, #tpu.memory_space<semaphore_mem>>) src(%arg4 : memref<20x16xf32, #tpu.memory_space<hbm>>) dst(%arg8 : memref<20x16xf32, #tpu.memory_space<vmem>>)
      tpu.yield
    }) : () -> ()
    %get3A = arith.constant 0 : i32
    %get3A_1 = arith.index_cast %get3A : i32 to index
    %get3A_2 = arith.constant 0 : index
    %get3A_3 = tpu.vector_load %arg8[%get3A_1, %get3A_2] {strides = array<i32>} : memref<20x16xf32, #tpu.memory_space<vmem>>, vector<16xf32>,
    %get3A_4 = arith.constant 1 : i32
    %get3A_5 = arith.index_cast %get3A_4 : i32 to index
    %get3A_6 = arith.constant 0 : index
    %get3A_7 = tpu.vector_load %arg8[%get3A_5, %get3A_6] {strides = array<i32>} : memref<20x16xf32, #tpu.memory_space<vmem>>, vector<16xf32>,
    %get3A_8 = arith.constant 2 : i32
    %get3A_9 = arith.index_cast %get3A_8 : i32 to index
    %get3A_10 = arith.constant 0 : index
    %get3A_11 = tpu.vector_load %arg8[%get3A_9, %get3A_10] {strides = array<i32>} : memref<20x16xf32, #tpu.memory_space<vmem>>, vector<16xf32>,
    %get3A_12 = arith.constant 3 : i32
    %get3A_13 = arith.index_cast %get3A_12 : i32 to index
    %get3A_14 = arith.constant 0 : index
    %get3A_15 = tpu.vector_load %arg8[%get3A_13, %get3A_14] {strides = array<i32>} : memref<20x16xf32, #tpu.memory_space<vmem>>, vector<16xf32>,
    %get3A_16 = arith.constant 4 : i32
    %get3A_17 = arith.index_cast %get3A_16 : i32 to index
    %get3A_18 = arith.constant 0 : index
    %get3A_19 = tpu.vector_load %arg8[%get3A_17, %get3A_18] {strides = array<i32>} : memref<20x16xf32, #tpu.memory_space<vmem>>, vector<16xf32>,
    %get3A_20 = arith.constant 5 : i32
    %get3A_21 = arith.index_cast %get3A_20 : i32 to index
    %get3A_22 = arith.constant 0 : index
    %get3A_23 = tpu.vector_load %arg8[%get3A_21, %get3A_22] {strides = array<i32>} : memref<20x16xf32, #tpu.memory_space<vmem>>, vector<16xf32>,
    %get3A_24 = arith.constant 6 : i32
    %get3A_25 = arith.index_cast %get3A_24 : i32 to index
    %get3A_26 = arith.constant 0 : index
    %get3A_27 = tpu.vector_load %arg8[%get3A_25, %get3A_26] {strides = array<i32>} : memref<20x16xf32, #tpu.memory_space<vmem>>, vector<16xf32>,
    %get3A_28 = arith.constant 7 : i32
    %get3A_29 = arith.index_cast %get3A_28 : i32 to index
    %get3A_30 = arith.constant 0 : index
    %get3A_31 = tpu.vector_load %arg8[%get3A_29, %get3A_30] {strides = array<i32>} : memref<20x16xf32, #tpu.memory_space<vmem>>, vector<16xf32>,
    %get3A_32 = arith.constant 8 : i32
    %get3A_33 = arith.index_cast %get3A_32 : i32 to index
    %get3A_34 = arith.constant 0 : index
    %get3A_35 = tpu.vector_load %arg8[%get3A_33, %get3A_34] {strides = array<i32>} : memref<20x16xf32, #tpu.memory_space<vmem>>, vector<16xf32>,
    %get3A_36 = arith.constant 9 : i32
    %get3A_37 = arith.index_cast %get3A_36 : i32 to index
    %get3A_38 = arith.constant 0 : index
    %get3A_39 = tpu.vector_load %arg8[%get3A_37, %get3A_38] {strides = array<i32>} : memref<20x16xf32, #tpu.memory_space<vmem>>, vector<16xf32>,
    %get3A_40 = arith.constant 10 : i32
    %get3A_41 = arith.index_cast %get3A_40 : i32 to index
    %get3A_42 = arith.constant 0 : index
    %get3A_43 = tpu.vector_load %arg8[%get3A_41, %get3A_42] {strides = array<i32>} : memref<20x16xf32, #tpu.memory_space<vmem>>, vector<16xf32>,
    %get3A_44 = arith.constant 11 : i32
    %get3A_45 = arith.index_cast %get3A_44 : i32 to index
    %get3A_46 = arith.constant 0 : index
    %get3A_47 = tpu.vector_load %arg8[%get3A_45, %get3A_46] {strides = array<i32>} : memref<20x16xf32, #tpu.memory_space<vmem>>, vector<16xf32>,
    %get3A_48 = arith.constant 12 : i32
    %get3A_49 = arith.index_cast %get3A_48 : i32 to index
    %get3A_50 = arith.constant 0 : index
    %get3A_51 = tpu.vector_load %arg8[%get3A_49, %get3A_50] {strides = array<i32>} : memref<20x16xf32, #tpu.memory_space<vmem>>, vector<16xf32>,
    %get3A_52 = arith.constant 13 : i32
    %get3A_53 = arith.index_cast %get3A_52 : i32 to index
    %get3A_54 = arith.constant 0 : index
    %get3A_55 = tpu.vector_load %arg8[%get3A_53, %get3A_54] {strides = array<i32>} : memref<20x16xf32, #tpu.memory_space<vmem>>, vector<16xf32>,
    %get3A_56 = arith.constant 14 : i32
    %get3A_57 = arith.index_cast %get3A_56 : i32 to index
    %get3A_58 = arith.constant 0 : index
    %get3A_59 = tpu.vector_load %arg8[%get3A_57, %get3A_58] {strides = array<i32>} : memref<20x16xf32, #tpu.memory_space<vmem>>, vector<16xf32>,
    %get3A_60 = arith.constant 15 : i32
    %get3A_61 = arith.index_cast %get3A_60 : i32 to index
    %get3A_62 = arith.constant 0 : index
    %get3A_63 = tpu.vector_load %arg8[%get3A_61, %get3A_62] {strides = array<i32>} : memref<20x16xf32, #tpu.memory_space<vmem>>, vector<16xf32>,
    %get3A_64 = arith.constant 16 : i32
    %get3A_65 = arith.index_cast %get3A_64 : i32 to index
    %get3A_66 = arith.constant 0 : index
    %get3A_67 = tpu.vector_load %arg8[%get3A_65, %get3A_66] {strides = array<i32>} : memref<20x16xf32, #tpu.memory_space<vmem>>, vector<16xf32>,
    %get3A_68 = arith.constant 17 : i32
    %get3A_69 = arith.index_cast %get3A_68 : i32 to index
    %get3A_70 = arith.constant 0 : index
    %get3A_71 = tpu.vector_load %arg8[%get3A_69, %get3A_70] {strides = array<i32>} : memref<20x16xf32, #tpu.memory_space<vmem>>, vector<16xf32>,
    %get3A_72 = arith.constant 18 : i32
    %get3A_73 = arith.index_cast %get3A_72 : i32 to index
    %get3A_74 = arith.constant 0 : index
    %get3A_75 = tpu.vector_load %arg8[%get3A_73, %get3A_74] {strides = array<i32>} : memref<20x16xf32, #tpu.memory_space<vmem>>, vector<16xf32>,
    %get3A_76 = arith.constant 19 : i32
    %get3A_77 = arith.index_cast %get3A_76 : i32 to index
    %get3A_78 = arith.constant 0 : index
    %get3A_79 = tpu.vector_load %arg8[%get3A_77, %get3A_78] {strides = array<i32>} : memref<20x16xf32, #tpu.memory_space<vmem>>, vector<16xf32>,
    %iota3A = tpu.iota {dimensions = array<i32: 0>} : vector<16xi32>
    %broadcast_in_dim3A = arith.constant 0 : i32
    %broadcast_in_dim3A_80 = vector.broadcast %broadcast_in_dim3A : i32 to vector<16xi32>
    %broadcast_in_dim3A_81 = arith.constant 1 : i32
    %broadcast_in_dim3A_82 = vector.broadcast %broadcast_in_dim3A_81 : i32 to vector<16xi32>
    %broadcast_in_dim3A_83 = arith.constant 2 : i32
    %broadcast_in_dim3A_84 = vector.broadcast %broadcast_in_dim3A_83 : i32 to vector<16xi32>
    %broadcast_in_dim3A_85 = arith.constant 3 : i32
    %broadcast_in_dim3A_86 = vector.broadcast %broadcast_in_dim3A_85 : i32 to vector<16xi32>
    %broadcast_in_dim3A_87 = arith.constant 0.000000e+00 : f32
    %broadcast_in_dim3A_88 = vector.broadcast %broadcast_in_dim3A_87 : f32 to vector<16xf32>
    %scan3A = arith.constant 5.000000e-01 : f32
    %scan3A_89 = arith.constant 1.000000e+00 : f32
    %scan3A_90 = arith.constant 0x4B000000 : f32
    %scan3A_91 = arith.constant 0 : i32
    %scan3A_92 = arith.constant 125 : i32
    %scan3A_93 = arith.addi %scan3A_91, %scan3A_92 : i32
    %scan3A_94 = arith.constant 1 : i32
    %scan3A_95 = scf.for %scan3A_100 = %scan3A_91 to %scan3A_93 step %scan3A_94 iter_args(%scan3A_101 = %broadcast_in_dim3A_88) -> (vector<16xf32>)  : i32 {
      %mul3A_102 = arith.constant 3125 : i32
      %mul3A_103 = arith.muli %add3A, %mul3A_102 : i32
      %mul3A_104 = arith.constant 25 : i32
      %mul3A_105 = arith.muli %scan3A_100, %mul3A_104 : i32
      %add3A_106 = arith.addi %mul3A_103, %mul3A_105 : i32
      "tpu.region"() ({
        %run_scoped3A = tpu.sem_alloc : memref<!tpu.dma_semaphore, #tpu.memory_space<semaphore_mem>>
        %dma_start3A_611 = arith.constant 0 : i32
        %dma_start3A_612 = tpu.memref_slice %arg3[%add3A_106, %dma_start3A_611] : memref<100000x128xi32, #tpu.memory_space<hbm>> -> memref<25x128xi32, #tpu.memory_space<hbm>>
        %dma_start3A_613 = arith.constant 0 : i32
        %dma_start3A_614 = tpu.memref_slice %arg3[%add3A_106, %dma_start3A_613] : memref<100000x128xi32, #tpu.memory_space<hbm>> -> memref<25x128xi32, #tpu.memory_space<hbm>>
        tpu.enqueue_dma source(%dma_start3A_614 : memref<25x128xi32, #tpu.memory_space<hbm>>) target(%arg6 : memref<25x128xi32, #tpu.memory_space<vmem>>) target_semaphore(%run_scoped3A : memref<!tpu.dma_semaphore, #tpu.memory_space<semaphore_mem>>)
        %dma_wait3A_615 = arith.constant 0 : i32
        %dma_wait3A_616 = tpu.memref_slice %arg3[%add3A_106, %dma_wait3A_615] : memref<100000x128xi32, #tpu.memory_space<hbm>> -> memref<25x128xi32, #tpu.memory_space<hbm>>
        %dma_wait3A_617 = arith.constant 0 : i32
        %dma_wait3A_618 = tpu.memref_slice %arg3[%add3A_106, %dma_wait3A_617] : memref<100000x128xi32, #tpu.memory_space<hbm>> -> memref<25x128xi32, #tpu.memory_space<hbm>>
        tpu.wait_dma2 semaphore(%run_scoped3A : memref<!tpu.dma_semaphore, #tpu.memory_space<semaphore_mem>>) src(%dma_wait3A_618 : memref<25x128xi32, #tpu.memory_space<hbm>>) dst(%arg6 : memref<25x128xi32, #tpu.memory_space<vmem>>)
        tpu.yield
      }) : () -> ()
      %dma_start3A = arith.constant 0 : i32
      %dma_start3A_107 = arith.constant 0 : i32
      %dma_start3A_108 = arith.constant 0 : i32
      %dma_start3A_109 = tpu.memref_slice %arg7[%dma_start3A_107, %dma_start3A_108] : memref<3200x8xf32, #tpu.memory_space<vmem>> -> memref<128x8xf32, #tpu.memory_space<vmem>>
      %dma_start3A_110 = arith.constant 0 : i32
      %dma_start3A_111 = tpu.memref_slice %arg6[%dma_start3A, %dma_start3A_110] : memref<25x128xi32, #tpu.memory_space<vmem>> -> memref<1x128xi32, #tpu.memory_space<vmem>>
      %dma_start3A_112 = tpu.memref_squeeze %dma_start3A_111 : memref<1x128xi32, #tpu.memory_space<vmem>> -> memref<128xi32, #tpu.memory_space<vmem>>
      %dma_start3A_113 = arith.constant 0 : i32
      %dma_start3A_114 = arith.constant 0 : i32
      %dma_start3A_115 = tpu.memref_slice %arg2[%dma_start3A_113, %dma_start3A_114] : memref<100000x8xf32, #tpu.memory_space<hbm>> -> memref<100000x8xf32, #tpu.memory_space<hbm>>
      tpu.enqueue_indirect_dma source(%dma_start3A_115 : memref<100000x8xf32, #tpu.memory_space<hbm>>) target(%dma_start3A_109 : memref<128x8xf32, #tpu.memory_space<vmem>>) offsets(%dma_start3A_112 : memref<128xi32, #tpu.memory_space<vmem>>) semaphore(%arg10 : memref<!tpu.dma_semaphore, #tpu.memory_space<semaphore_mem>>)
      %dma_start3A_116 = arith.constant 1 : i32
      %dma_start3A_117 = arith.constant 128 : i32
      %dma_start3A_118 = arith.constant 0 : i32
      %dma_start3A_119 = tpu.memref_slice %arg7[%dma_start3A_117, %dma_start3A_118] : memref<3200x8xf32, #tpu.memory_space<vmem>> -> memref<128x8xf32, #tpu.memory_space<vmem>>
      %dma_start3A_120 = arith.constant 0 : i32
      %dma_start3A_121 = tpu.memref_slice %arg6[%dma_start3A_116, %dma_start3A_120] : memref<25x128xi32, #tpu.memory_space<vmem>> -> memref<1x128xi32, #tpu.memory_space<vmem>>
      %dma_start3A_122 = tpu.memref_squeeze %dma_start3A_121 : memref<1x128xi32, #tpu.memory_space<vmem>> -> memref<128xi32, #tpu.memory_space<vmem>>
      %dma_start3A_123 = arith.constant 0 : i32
      %dma_start3A_124 = arith.constant 0 : i32
      %dma_start3A_125 = tpu.memref_slice %arg2[%dma_start3A_123, %dma_start3A_124] : memref<100000x8xf32, #tpu.memory_space<hbm>> -> memref<100000x8xf32, #tpu.memory_space<hbm>>
      tpu.enqueue_indirect_dma source(%dma_start3A_125 : memref<100000x8xf32, #tpu.memory_space<hbm>>) target(%dma_start3A_119 : memref<128x8xf32, #tpu.memory_space<vmem>>) offsets(%dma_start3A_122 : memref<128xi32, #tpu.memory_space<vmem>>) semaphore(%arg10 : memref<!tpu.dma_semaphore, #tpu.memory_space<semaphore_mem>>)
      %dma_start3A_126 = arith.constant 2 : i32
      %dma_start3A_127 = arith.constant 256 : i32
      %dma_start3A_128 = arith.constant 0 : i32
      %dma_start3A_129 = tpu.memref_slice %arg7[%dma_start3A_127, %dma_start3A_128] : memref<3200x8xf32, #tpu.memory_space<vmem>> -> memref<128x8xf32, #tpu.memory_space<vmem>>
      %dma_start3A_130 = arith.constant 0 : i32
      %dma_start3A_131 = tpu.memref_slice %arg6[%dma_start3A_126, %dma_start3A_130] : memref<25x128xi32, #tpu.memory_space<vmem>> -> memref<1x128xi32, #tpu.memory_space<vmem>>
      %dma_start3A_132 = tpu.memref_squeeze %dma_start3A_131 : memref<1x128xi32, #tpu.memory_space<vmem>> -> memref<128xi32, #tpu.memory_space<vmem>>
      %dma_start3A_133 = arith.constant 0 : i32
      %dma_start3A_134 = arith.constant 0 : i32
      %dma_start3A_135 = tpu.memref_slice %arg2[%dma_start3A_133, %dma_start3A_134] : memref<100000x8xf32, #tpu.memory_space<hbm>> -> memref<100000x8xf32, #tpu.memory_space<hbm>>
      tpu.enqueue_indirect_dma source(%dma_start3A_135 : memref<100000x8xf32, #tpu.memory_space<hbm>>) target(%dma_start3A_129 : memref<128x8xf32, #tpu.memory_space<vmem>>) offsets(%dma_start3A_132 : memref<128xi32, #tpu.memory_space<vmem>>) semaphore(%arg10 : memref<!tpu.dma_semaphore, #tpu.memory_space<semaphore_mem>>)
      %dma_start3A_136 = arith.constant 3 : i32
      %dma_start3A_137 = arith.constant 384 : i32
      %dma_start3A_138 = arith.constant 0 : i32
      %dma_start3A_139 = tpu.memref_slice %arg7[%dma_start3A_137, %dma_start3A_138] : memref<3200x8xf32, #tpu.memory_space<vmem>> -> memref<128x8xf32, #tpu.memory_space<vmem>>
      %dma_start3A_140 = arith.constant 0 : i32
      %dma_start3A_141 = tpu.memref_slice %arg6[%dma_start3A_136, %dma_start3A_140] : memref<25x128xi32, #tpu.memory_space<vmem>> -> memref<1x128xi32, #tpu.memory_space<vmem>>
      %dma_start3A_142 = tpu.memref_squeeze %dma_start3A_141 : memref<1x128xi32, #tpu.memory_space<vmem>> -> memref<128xi32, #tpu.memory_space<vmem>>
      %dma_start3A_143 = arith.constant 0 : i32
      %dma_start3A_144 = arith.constant 0 : i32
      %dma_start3A_145 = tpu.memref_slice %arg2[%dma_start3A_143, %dma_start3A_144] : memref<100000x8xf32, #tpu.memory_space<hbm>> -> memref<100000x8xf32, #tpu.memory_space<hbm>>
      tpu.enqueue_indirect_dma source(%dma_start3A_145 : memref<100000x8xf32, #tpu.memory_space<hbm>>) target(%dma_start3A_139 : memref<128x8xf32, #tpu.memory_space<vmem>>) offsets(%dma_start3A_142 : memref<128xi32, #tpu.memory_space<vmem>>) semaphore(%arg10 : memref<!tpu.dma_semaphore, #tpu.memory_space<semaphore_mem>>)
      %dma_start3A_146 = arith.constant 4 : i32
      %dma_start3A_147 = arith.constant 512 : i32
      %dma_start3A_148 = arith.constant 0 : i32
      %dma_start3A_149 = tpu.memref_slice %arg7[%dma_start3A_147, %dma_start3A_148] : memref<3200x8xf32, #tpu.memory_space<vmem>> -> memref<128x8xf32, #tpu.memory_space<vmem>>
      %dma_start3A_150 = arith.constant 0 : i32
      %dma_start3A_151 = tpu.memref_slice %arg6[%dma_start3A_146, %dma_start3A_150] : memref<25x128xi32, #tpu.memory_space<vmem>> -> memref<1x128xi32, #tpu.memory_space<vmem>>
      %dma_start3A_152 = tpu.memref_squeeze %dma_start3A_151 : memref<1x128xi32, #tpu.memory_space<vmem>> -> memref<128xi32, #tpu.memory_space<vmem>>
      %dma_start3A_153 = arith.constant 0 : i32
      %dma_start3A_154 = arith.constant 0 : i32
      %dma_start3A_155 = tpu.memref_slice %arg2[%dma_start3A_153, %dma_start3A_154] : memref<100000x8xf32, #tpu.memory_space<hbm>> -> memref<100000x8xf32, #tpu.memory_space<hbm>>
      tpu.enqueue_indirect_dma source(%dma_start3A_155 : memref<100000x8xf32, #tpu.memory_space<hbm>>) target(%dma_start3A_149 : memref<128x8xf32, #tpu.memory_space<vmem>>) offsets(%dma_start3A_152 : memref<128xi32, #tpu.memory_space<vmem>>) semaphore(%arg10 : memref<!tpu.dma_semaphore, #tpu.memory_space<semaphore_mem>>)
      %dma_start3A_156 = arith.constant 5 : i32
      %dma_start3A_157 = arith.constant 640 : i32
      %dma_start3A_158 = arith.constant 0 : i32
      %dma_start3A_159 = tpu.memref_slice %arg7[%dma_start3A_157, %dma_start3A_158] : memref<3200x8xf32, #tpu.memory_space<vmem>> -> memref<128x8xf32, #tpu.memory_space<vmem>>
      %dma_start3A_160 = arith.constant 0 : i32
      %dma_start3A_161 = tpu.memref_slice %arg6[%dma_start3A_156, %dma_start3A_160] : memref<25x128xi32, #tpu.memory_space<vmem>> -> memref<1x128xi32, #tpu.memory_space<vmem>>
      %dma_start3A_162 = tpu.memref_squeeze %dma_start3A_161 : memref<1x128xi32, #tpu.memory_space<vmem>> -> memref<128xi32, #tpu.memory_space<vmem>>
      %dma_start3A_163 = arith.constant 0 : i32
      %dma_start3A_164 = arith.constant 0 : i32
      %dma_start3A_165 = tpu.memref_slice %arg2[%dma_start3A_163, %dma_start3A_164] : memref<100000x8xf32, #tpu.memory_space<hbm>> -> memref<100000x8xf32, #tpu.memory_space<hbm>>
      tpu.enqueue_indirect_dma source(%dma_start3A_165 : memref<100000x8xf32, #tpu.memory_space<hbm>>) target(%dma_start3A_159 : memref<128x8xf32, #tpu.memory_space<vmem>>) offsets(%dma_start3A_162 : memref<128xi32, #tpu.memory_space<vmem>>) semaphore(%arg10 : memref<!tpu.dma_semaphore, #tpu.memory_space<semaphore_mem>>)
      %dma_start3A_166 = arith.constant 6 : i32
      %dma_start3A_167 = arith.constant 768 : i32
      %dma_start3A_168 = arith.constant 0 : i32
      %dma_start3A_169 = tpu.memref_slice %arg7[%dma_start3A_167, %dma_start3A_168] : memref<3200x8xf32, #tpu.memory_space<vmem>> -> memref<128x8xf32, #tpu.memory_space<vmem>>
      %dma_start3A_170 = arith.constant 0 : i32
      %dma_start3A_171 = tpu.memref_slice %arg6[%dma_start3A_166, %dma_start3A_170] : memref<25x128xi32, #tpu.memory_space<vmem>> -> memref<1x128xi32, #tpu.memory_space<vmem>>
      %dma_start3A_172 = tpu.memref_squeeze %dma_start3A_171 : memref<1x128xi32, #tpu.memory_space<vmem>> -> memref<128xi32, #tpu.memory_space<vmem>>
      %dma_start3A_173 = arith.constant 0 : i32
      %dma_start3A_174 = arith.constant 0 : i32
      %dma_start3A_175 = tpu.memref_slice %arg2[%dma_start3A_173, %dma_start3A_174] : memref<100000x8xf32, #tpu.memory_space<hbm>> -> memref<100000x8xf32, #tpu.memory_space<hbm>>
      tpu.enqueue_indirect_dma source(%dma_start3A_175 : memref<100000x8xf32, #tpu.memory_space<hbm>>) target(%dma_start3A_169 : memref<128x8xf32, #tpu.memory_space<vmem>>) offsets(%dma_start3A_172 : memref<128xi32, #tpu.memory_space<vmem>>) semaphore(%arg10 : memref<!tpu.dma_semaphore, #tpu.memory_space<semaphore_mem>>)
      %dma_start3A_176 = arith.constant 7 : i32
      %dma_start3A_177 = arith.constant 896 : i32
      %dma_start3A_178 = arith.constant 0 : i32
      %dma_start3A_179 = tpu.memref_slice %arg7[%dma_start3A_177, %dma_start3A_178] : memref<3200x8xf32, #tpu.memory_space<vmem>> -> memref<128x8xf32, #tpu.memory_space<vmem>>
      %dma_start3A_180 = arith.constant 0 : i32
      %dma_start3A_181 = tpu.memref_slice %arg6[%dma_start3A_176, %dma_start3A_180] : memref<25x128xi32, #tpu.memory_space<vmem>> -> memref<1x128xi32, #tpu.memory_space<vmem>>
      %dma_start3A_182 = tpu.memref_squeeze %dma_start3A_181 : memref<1x128xi32, #tpu.memory_space<vmem>> -> memref<128xi32, #tpu.memory_space<vmem>>
      %dma_start3A_183 = arith.constant 0 : i32
      %dma_start3A_184 = arith.constant 0 : i32
      %dma_start3A_185 = tpu.memref_slice %arg2[%dma_start3A_183, %dma_start3A_184] : memref<100000x8xf32, #tpu.memory_space<hbm>> -> memref<100000x8xf32, #tpu.memory_space<hbm>>
      tpu.enqueue_indirect_dma source(%dma_start3A_185 : memref<100000x8xf32, #tpu.memory_space<hbm>>) target(%dma_start3A_179 : memref<128x8xf32, #tpu.memory_space<vmem>>) offsets(%dma_start3A_182 : memref<128xi32, #tpu.memory_space<vmem>>) semaphore(%arg10 : memref<!tpu.dma_semaphore, #tpu.memory_space<semaphore_mem>>)
      %dma_start3A_186 = arith.constant 8 : i32
      %dma_start3A_187 = arith.constant 1024 : i32
      %dma_start3A_188 = arith.constant 0 : i32
      %dma_start3A_189 = tpu.memref_slice %arg7[%dma_start3A_187, %dma_start3A_188] : memref<3200x8xf32, #tpu.memory_space<vmem>> -> memref<128x8xf32, #tpu.memory_space<vmem>>
      %dma_start3A_190 = arith.constant 0 : i32
      %dma_start3A_191 = tpu.memref_slice %arg6[%dma_start3A_186, %dma_start3A_190] : memref<25x128xi32, #tpu.memory_space<vmem>> -> memref<1x128xi32, #tpu.memory_space<vmem>>
      %dma_start3A_192 = tpu.memref_squeeze %dma_start3A_191 : memref<1x128xi32, #tpu.memory_space<vmem>> -> memref<128xi32, #tpu.memory_space<vmem>>
      %dma_start3A_193 = arith.constant 0 : i32
      %dma_start3A_194 = arith.constant 0 : i32
      %dma_start3A_195 = tpu.memref_slice %arg2[%dma_start3A_193, %dma_start3A_194] : memref<100000x8xf32, #tpu.memory_space<hbm>> -> memref<100000x8xf32, #tpu.memory_space<hbm>>
      tpu.enqueue_indirect_dma source(%dma_start3A_195 : memref<100000x8xf32, #tpu.memory_space<hbm>>) target(%dma_start3A_189 : memref<128x8xf32, #tpu.memory_space<vmem>>) offsets(%dma_start3A_192 : memref<128xi32, #tpu.memory_space<vmem>>) semaphore(%arg10 : memref<!tpu.dma_semaphore, #tpu.memory_space<semaphore_mem>>)
      %dma_start3A_196 = arith.constant 9 : i32
      %dma_start3A_197 = arith.constant 1152 : i32
      %dma_start3A_198 = arith.constant 0 : i32
      %dma_start3A_199 = tpu.memref_slice %arg7[%dma_start3A_197, %dma_start3A_198] : memref<3200x8xf32, #tpu.memory_space<vmem>> -> memref<128x8xf32, #tpu.memory_space<vmem>>
      %dma_start3A_200 = arith.constant 0 : i32
      %dma_start3A_201 = tpu.memref_slice %arg6[%dma_start3A_196, %dma_start3A_200] : memref<25x128xi32, #tpu.memory_space<vmem>> -> memref<1x128xi32, #tpu.memory_space<vmem>>
      %dma_start3A_202 = tpu.memref_squeeze %dma_start3A_201 : memref<1x128xi32, #tpu.memory_space<vmem>> -> memref<128xi32, #tpu.memory_space<vmem>>
      %dma_start3A_203 = arith.constant 0 : i32
      %dma_start3A_204 = arith.constant 0 : i32
      %dma_start3A_205 = tpu.memref_slice %arg2[%dma_start3A_203, %dma_start3A_204] : memref<100000x8xf32, #tpu.memory_space<hbm>> -> memref<100000x8xf32, #tpu.memory_space<hbm>>
      tpu.enqueue_indirect_dma source(%dma_start3A_205 : memref<100000x8xf32, #tpu.memory_space<hbm>>) target(%dma_start3A_199 : memref<128x8xf32, #tpu.memory_space<vmem>>) offsets(%dma_start3A_202 : memref<128xi32, #tpu.memory_space<vmem>>) semaphore(%arg10 : memref<!tpu.dma_semaphore, #tpu.memory_space<semaphore_mem>>)
      %dma_start3A_206 = arith.constant 10 : i32
      %dma_start3A_207 = arith.constant 1280 : i32
      %dma_start3A_208 = arith.constant 0 : i32
      %dma_start3A_209 = tpu.memref_slice %arg7[%dma_start3A_207, %dma_start3A_208] : memref<3200x8xf32, #tpu.memory_space<vmem>> -> memref<128x8xf32, #tpu.memory_space<vmem>>
      %dma_start3A_210 = arith.constant 0 : i32
      %dma_start3A_211 = tpu.memref_slice %arg6[%dma_start3A_206, %dma_start3A_210] : memref<25x128xi32, #tpu.memory_space<vmem>> -> memref<1x128xi32, #tpu.memory_space<vmem>>
      %dma_start3A_212 = tpu.memref_squeeze %dma_start3A_211 : memref<1x128xi32, #tpu.memory_space<vmem>> -> memref<128xi32, #tpu.memory_space<vmem>>
      %dma_start3A_213 = arith.constant 0 : i32
      %dma_start3A_214 = arith.constant 0 : i32
      %dma_start3A_215 = tpu.memref_slice %arg2[%dma_start3A_213, %dma_start3A_214] : memref<100000x8xf32, #tpu.memory_space<hbm>> -> memref<100000x8xf32, #tpu.memory_space<hbm>>
      tpu.enqueue_indirect_dma source(%dma_start3A_215 : memref<100000x8xf32, #tpu.memory_space<hbm>>) target(%dma_start3A_209 : memref<128x8xf32, #tpu.memory_space<vmem>>) offsets(%dma_start3A_212 : memref<128xi32, #tpu.memory_space<vmem>>) semaphore(%arg10 : memref<!tpu.dma_semaphore, #tpu.memory_space<semaphore_mem>>)
      %dma_start3A_216 = arith.constant 11 : i32
      %dma_start3A_217 = arith.constant 1408 : i32
      %dma_start3A_218 = arith.constant 0 : i32
      %dma_start3A_219 = tpu.memref_slice %arg7[%dma_start3A_217, %dma_start3A_218] : memref<3200x8xf32, #tpu.memory_space<vmem>> -> memref<128x8xf32, #tpu.memory_space<vmem>>
      %dma_start3A_220 = arith.constant 0 : i32
      %dma_start3A_221 = tpu.memref_slice %arg6[%dma_start3A_216, %dma_start3A_220] : memref<25x128xi32, #tpu.memory_space<vmem>> -> memref<1x128xi32, #tpu.memory_space<vmem>>
      %dma_start3A_222 = tpu.memref_squeeze %dma_start3A_221 : memref<1x128xi32, #tpu.memory_space<vmem>> -> memref<128xi32, #tpu.memory_space<vmem>>
      %dma_start3A_223 = arith.constant 0 : i32
      %dma_start3A_224 = arith.constant 0 : i32
      %dma_start3A_225 = tpu.memref_slice %arg2[%dma_start3A_223, %dma_start3A_224] : memref<100000x8xf32, #tpu.memory_space<hbm>> -> memref<100000x8xf32, #tpu.memory_space<hbm>>
      tpu.enqueue_indirect_dma source(%dma_start3A_225 : memref<100000x8xf32, #tpu.memory_space<hbm>>) target(%dma_start3A_219 : memref<128x8xf32, #tpu.memory_space<vmem>>) offsets(%dma_start3A_222 : memref<128xi32, #tpu.memory_space<vmem>>) semaphore(%arg10 : memref<!tpu.dma_semaphore, #tpu.memory_space<semaphore_mem>>)
      %dma_start3A_226 = arith.constant 12 : i32
      %dma_start3A_227 = arith.constant 1536 : i32
      %dma_start3A_228 = arith.constant 0 : i32
      %dma_start3A_229 = tpu.memref_slice %arg7[%dma_start3A_227, %dma_start3A_228] : memref<3200x8xf32, #tpu.memory_space<vmem>> -> memref<128x8xf32, #tpu.memory_space<vmem>>
      %dma_start3A_230 = arith.constant 0 : i32
      %dma_start3A_231 = tpu.memref_slice %arg6[%dma_start3A_226, %dma_start3A_230] : memref<25x128xi32, #tpu.memory_space<vmem>> -> memref<1x128xi32, #tpu.memory_space<vmem>>
      %dma_start3A_232 = tpu.memref_squeeze %dma_start3A_231 : memref<1x128xi32, #tpu.memory_space<vmem>> -> memref<128xi32, #tpu.memory_space<vmem>>
      %dma_start3A_233 = arith.constant 0 : i32
      %dma_start3A_234 = arith.constant 0 : i32
      %dma_start3A_235 = tpu.memref_slice %arg2[%dma_start3A_233, %dma_start3A_234] : memref<100000x8xf32, #tpu.memory_space<hbm>> -> memref<100000x8xf32, #tpu.memory_space<hbm>>
      tpu.enqueue_indirect_dma source(%dma_start3A_235 : memref<100000x8xf32, #tpu.memory_space<hbm>>) target(%dma_start3A_229 : memref<128x8xf32, #tpu.memory_space<vmem>>) offsets(%dma_start3A_232 : memref<128xi32, #tpu.memory_space<vmem>>) semaphore(%arg10 : memref<!tpu.dma_semaphore, #tpu.memory_space<semaphore_mem>>)
      %dma_start3A_236 = arith.constant 13 : i32
      %dma_start3A_237 = arith.constant 1664 : i32
      %dma_start3A_238 = arith.constant 0 : i32
      %dma_start3A_239 = tpu.memref_slice %arg7[%dma_start3A_237, %dma_start3A_238] : memref<3200x8xf32, #tpu.memory_space<vmem>> -> memref<128x8xf32, #tpu.memory_space<vmem>>
      %dma_start3A_240 = arith.constant 0 : i32
      %dma_start3A_241 = tpu.memref_slice %arg6[%dma_start3A_236, %dma_start3A_240] : memref<25x128xi32, #tpu.memory_space<vmem>> -> memref<1x128xi32, #tpu.memory_space<vmem>>
      %dma_start3A_242 = tpu.memref_squeeze %dma_start3A_241 : memref<1x128xi32, #tpu.memory_space<vmem>> -> memref<128xi32, #tpu.memory_space<vmem>>
      %dma_start3A_243 = arith.constant 0 : i32
      %dma_start3A_244 = arith.constant 0 : i32
      %dma_start3A_245 = tpu.memref_slice %arg2[%dma_start3A_243, %dma_start3A_244] : memref<100000x8xf32, #tpu.memory_space<hbm>> -> memref<100000x8xf32, #tpu.memory_space<hbm>>
      tpu.enqueue_indirect_dma source(%dma_start3A_245 : memref<100000x8xf32, #tpu.memory_space<hbm>>) target(%dma_start3A_239 : memref<128x8xf32, #tpu.memory_space<vmem>>) offsets(%dma_start3A_242 : memref<128xi32, #tpu.memory_space<vmem>>) semaphore(%arg10 : memref<!tpu.dma_semaphore, #tpu.memory_space<semaphore_mem>>)
      %dma_start3A_246 = arith.constant 14 : i32
      %dma_start3A_247 = arith.constant 1792 : i32
      %dma_start3A_248 = arith.constant 0 : i32
      %dma_start3A_249 = tpu.memref_slice %arg7[%dma_start3A_247, %dma_start3A_248] : memref<3200x8xf32, #tpu.memory_space<vmem>> -> memref<128x8xf32, #tpu.memory_space<vmem>>
      %dma_start3A_250 = arith.constant 0 : i32
      %dma_start3A_251 = tpu.memref_slice %arg6[%dma_start3A_246, %dma_start3A_250] : memref<25x128xi32, #tpu.memory_space<vmem>> -> memref<1x128xi32, #tpu.memory_space<vmem>>
      %dma_start3A_252 = tpu.memref_squeeze %dma_start3A_251 : memref<1x128xi32, #tpu.memory_space<vmem>> -> memref<128xi32, #tpu.memory_space<vmem>>
      %dma_start3A_253 = arith.constant 0 : i32
      %dma_start3A_254 = arith.constant 0 : i32
      %dma_start3A_255 = tpu.memref_slice %arg2[%dma_start3A_253, %dma_start3A_254] : memref<100000x8xf32, #tpu.memory_space<hbm>> -> memref<100000x8xf32, #tpu.memory_space<hbm>>
      tpu.enqueue_indirect_dma source(%dma_start3A_255 : memref<100000x8xf32, #tpu.memory_space<hbm>>) target(%dma_start3A_249 : memref<128x8xf32, #tpu.memory_space<vmem>>) offsets(%dma_start3A_252 : memref<128xi32, #tpu.memory_space<vmem>>) semaphore(%arg10 : memref<!tpu.dma_semaphore, #tpu.memory_space<semaphore_mem>>)
      %dma_start3A_256 = arith.constant 15 : i32
      %dma_start3A_257 = arith.constant 1920 : i32
      %dma_start3A_258 = arith.constant 0 : i32
      %dma_start3A_259 = tpu.memref_slice %arg7[%dma_start3A_257, %dma_start3A_258] : memref<3200x8xf32, #tpu.memory_space<vmem>> -> memref<128x8xf32, #tpu.memory_space<vmem>>
      %dma_start3A_260 = arith.constant 0 : i32
      %dma_start3A_261 = tpu.memref_slice %arg6[%dma_start3A_256, %dma_start3A_260] : memref<25x128xi32, #tpu.memory_space<vmem>> -> memref<1x128xi32, #tpu.memory_space<vmem>>
      %dma_start3A_262 = tpu.memref_squeeze %dma_start3A_261 : memref<1x128xi32, #tpu.memory_space<vmem>> -> memref<128xi32, #tpu.memory_space<vmem>>
      %dma_start3A_263 = arith.constant 0 : i32
      %dma_start3A_264 = arith.constant 0 : i32
      %dma_start3A_265 = tpu.memref_slice %arg2[%dma_start3A_263, %dma_start3A_264] : memref<100000x8xf32, #tpu.memory_space<hbm>> -> memref<100000x8xf32, #tpu.memory_space<hbm>>
      tpu.enqueue_indirect_dma source(%dma_start3A_265 : memref<100000x8xf32, #tpu.memory_space<hbm>>) target(%dma_start3A_259 : memref<128x8xf32, #tpu.memory_space<vmem>>) offsets(%dma_start3A_262 : memref<128xi32, #tpu.memory_space<vmem>>) semaphore(%arg10 : memref<!tpu.dma_semaphore, #tpu.memory_space<semaphore_mem>>)
      %dma_start3A_266 = arith.constant 16 : i32
      %dma_start3A_267 = arith.constant 2048 : i32
      %dma_start3A_268 = arith.constant 0 : i32
      %dma_start3A_269 = tpu.memref_slice %arg7[%dma_start3A_267, %dma_start3A_268] : memref<3200x8xf32, #tpu.memory_space<vmem>> -> memref<128x8xf32, #tpu.memory_space<vmem>>
      %dma_start3A_270 = arith.constant 0 : i32
      %dma_start3A_271 = tpu.memref_slice %arg6[%dma_start3A_266, %dma_start3A_270] : memref<25x128xi32, #tpu.memory_space<vmem>> -> memref<1x128xi32, #tpu.memory_space<vmem>>
      %dma_start3A_272 = tpu.memref_squeeze %dma_start3A_271 : memref<1x128xi32, #tpu.memory_space<vmem>> -> memref<128xi32, #tpu.memory_space<vmem>>
      %dma_start3A_273 = arith.constant 0 : i32
      %dma_start3A_274 = arith.constant 0 : i32
      %dma_start3A_275 = tpu.memref_slice %arg2[%dma_start3A_273, %dma_start3A_274] : memref<100000x8xf32, #tpu.memory_space<hbm>> -> memref<100000x8xf32, #tpu.memory_space<hbm>>
      tpu.enqueue_indirect_dma source(%dma_start3A_275 : memref<100000x8xf32, #tpu.memory_space<hbm>>) target(%dma_start3A_269 : memref<128x8xf32, #tpu.memory_space<vmem>>) offsets(%dma_start3A_272 : memref<128xi32, #tpu.memory_space<vmem>>) semaphore(%arg10 : memref<!tpu.dma_semaphore, #tpu.memory_space<semaphore_mem>>)
      %dma_start3A_276 = arith.constant 17 : i32
      %dma_start3A_277 = arith.constant 2176 : i32
      %dma_start3A_278 = arith.constant 0 : i32
      %dma_start3A_279 = tpu.memref_slice %arg7[%dma_start3A_277, %dma_start3A_278] : memref<3200x8xf32, #tpu.memory_space<vmem>> -> memref<128x8xf32, #tpu.memory_space<vmem>>
      %dma_start3A_280 = arith.constant 0 : i32
      %dma_start3A_281 = tpu.memref_slice %arg6[%dma_start3A_276, %dma_start3A_280] : memref<25x128xi32, #tpu.memory_space<vmem>> -> memref<1x128xi32, #tpu.memory_space<vmem>>
      %dma_start3A_282 = tpu.memref_squeeze %dma_start3A_281 : memref<1x128xi32, #tpu.memory_space<vmem>> -> memref<128xi32, #tpu.memory_space<vmem>>
      %dma_start3A_283 = arith.constant 0 : i32
      %dma_start3A_284 = arith.constant 0 : i32
      %dma_start3A_285 = tpu.memref_slice %arg2[%dma_start3A_283, %dma_start3A_284] : memref<100000x8xf32, #tpu.memory_space<hbm>> -> memref<100000x8xf32, #tpu.memory_space<hbm>>
      tpu.enqueue_indirect_dma source(%dma_start3A_285 : memref<100000x8xf32, #tpu.memory_space<hbm>>) target(%dma_start3A_279 : memref<128x8xf32, #tpu.memory_space<vmem>>) offsets(%dma_start3A_282 : memref<128xi32, #tpu.memory_space<vmem>>) semaphore(%arg10 : memref<!tpu.dma_semaphore, #tpu.memory_space<semaphore_mem>>)
      %dma_start3A_286 = arith.constant 18 : i32
      %dma_start3A_287 = arith.constant 2304 : i32
      %dma_start3A_288 = arith.constant 0 : i32
      %dma_start3A_289 = tpu.memref_slice %arg7[%dma_start3A_287, %dma_start3A_288] : memref<3200x8xf32, #tpu.memory_space<vmem>> -> memref<128x8xf32, #tpu.memory_space<vmem>>
      %dma_start3A_290 = arith.constant 0 : i32
      %dma_start3A_291 = tpu.memref_slice %arg6[%dma_start3A_286, %dma_start3A_290] : memref<25x128xi32, #tpu.memory_space<vmem>> -> memref<1x128xi32, #tpu.memory_space<vmem>>
      %dma_start3A_292 = tpu.memref_squeeze %dma_start3A_291 : memref<1x128xi32, #tpu.memory_space<vmem>> -> memref<128xi32, #tpu.memory_space<vmem>>
      %dma_start3A_293 = arith.constant 0 : i32
      %dma_start3A_294 = arith.constant 0 : i32
      %dma_start3A_295 = tpu.memref_slice %arg2[%dma_start3A_293, %dma_start3A_294] : memref<100000x8xf32, #tpu.memory_space<hbm>> -> memref<100000x8xf32, #tpu.memory_space<hbm>>
      tpu.enqueue_indirect_dma source(%dma_start3A_295 : memref<100000x8xf32, #tpu.memory_space<hbm>>) target(%dma_start3A_289 : memref<128x8xf32, #tpu.memory_space<vmem>>) offsets(%dma_start3A_292 : memref<128xi32, #tpu.memory_space<vmem>>) semaphore(%arg10 : memref<!tpu.dma_semaphore, #tpu.memory_space<semaphore_mem>>)
      %dma_start3A_296 = arith.constant 19 : i32
      %dma_start3A_297 = arith.constant 2432 : i32
      %dma_start3A_298 = arith.constant 0 : i32
      %dma_start3A_299 = tpu.memref_slice %arg7[%dma_start3A_297, %dma_start3A_298] : memref<3200x8xf32, #tpu.memory_space<vmem>> -> memref<128x8xf32, #tpu.memory_space<vmem>>
      %dma_start3A_300 = arith.constant 0 : i32
      %dma_start3A_301 = tpu.memref_slice %arg6[%dma_start3A_296, %dma_start3A_300] : memref<25x128xi32, #tpu.memory_space<vmem>> -> memref<1x128xi32, #tpu.memory_space<vmem>>
      %dma_start3A_302 = tpu.memref_squeeze %dma_start3A_301 : memref<1x128xi32, #tpu.memory_space<vmem>> -> memref<128xi32, #tpu.memory_space<vmem>>
      %dma_start3A_303 = arith.constant 0 : i32
      %dma_start3A_304 = arith.constant 0 : i32
      %dma_start3A_305 = tpu.memref_slice %arg2[%dma_start3A_303, %dma_start3A_304] : memref<100000x8xf32, #tpu.memory_space<hbm>> -> memref<100000x8xf32, #tpu.memory_space<hbm>>
      tpu.enqueue_indirect_dma source(%dma_start3A_305 : memref<100000x8xf32, #tpu.memory_space<hbm>>) target(%dma_start3A_299 : memref<128x8xf32, #tpu.memory_space<vmem>>) offsets(%dma_start3A_302 : memref<128xi32, #tpu.memory_space<vmem>>) semaphore(%arg10 : memref<!tpu.dma_semaphore, #tpu.memory_space<semaphore_mem>>)
      %dma_start3A_306 = arith.constant 20 : i32
      %dma_start3A_307 = arith.constant 2560 : i32
      %dma_start3A_308 = arith.constant 0 : i32
      %dma_start3A_309 = tpu.memref_slice %arg7[%dma_start3A_307, %dma_start3A_308] : memref<3200x8xf32, #tpu.memory_space<vmem>> -> memref<128x8xf32, #tpu.memory_space<vmem>>
      %dma_start3A_310 = arith.constant 0 : i32
      %dma_start3A_311 = tpu.memref_slice %arg6[%dma_start3A_306, %dma_start3A_310] : memref<25x128xi32, #tpu.memory_space<vmem>> -> memref<1x128xi32, #tpu.memory_space<vmem>>
      %dma_start3A_312 = tpu.memref_squeeze %dma_start3A_311 : memref<1x128xi32, #tpu.memory_space<vmem>> -> memref<128xi32, #tpu.memory_space<vmem>>
      %dma_start3A_313 = arith.constant 0 : i32
      %dma_start3A_314 = arith.constant 0 : i32
      %dma_start3A_315 = tpu.memref_slice %arg2[%dma_start3A_313, %dma_start3A_314] : memref<100000x8xf32, #tpu.memory_space<hbm>> -> memref<100000x8xf32, #tpu.memory_space<hbm>>
      tpu.enqueue_indirect_dma source(%dma_start3A_315 : memref<100000x8xf32, #tpu.memory_space<hbm>>) target(%dma_start3A_309 : memref<128x8xf32, #tpu.memory_space<vmem>>) offsets(%dma_start3A_312 : memref<128xi32, #tpu.memory_space<vmem>>) semaphore(%arg10 : memref<!tpu.dma_semaphore, #tpu.memory_space<semaphore_mem>>)
      %dma_start3A_316 = arith.constant 21 : i32
      %dma_start3A_317 = arith.constant 2688 : i32
      %dma_start3A_318 = arith.constant 0 : i32
      %dma_start3A_319 = tpu.memref_slice %arg7[%dma_start3A_317, %dma_start3A_318] : memref<3200x8xf32, #tpu.memory_space<vmem>> -> memref<128x8xf32, #tpu.memory_space<vmem>>
      %dma_start3A_320 = arith.constant 0 : i32
      %dma_start3A_321 = tpu.memref_slice %arg6[%dma_start3A_316, %dma_start3A_320] : memref<25x128xi32, #tpu.memory_space<vmem>> -> memref<1x128xi32, #tpu.memory_space<vmem>>
      %dma_start3A_322 = tpu.memref_squeeze %dma_start3A_321 : memref<1x128xi32, #tpu.memory_space<vmem>> -> memref<128xi32, #tpu.memory_space<vmem>>
      %dma_start3A_323 = arith.constant 0 : i32
      %dma_start3A_324 = arith.constant 0 : i32
      %dma_start3A_325 = tpu.memref_slice %arg2[%dma_start3A_323, %dma_start3A_324] : memref<100000x8xf32, #tpu.memory_space<hbm>> -> memref<100000x8xf32, #tpu.memory_space<hbm>>
      tpu.enqueue_indirect_dma source(%dma_start3A_325 : memref<100000x8xf32, #tpu.memory_space<hbm>>) target(%dma_start3A_319 : memref<128x8xf32, #tpu.memory_space<vmem>>) offsets(%dma_start3A_322 : memref<128xi32, #tpu.memory_space<vmem>>) semaphore(%arg10 : memref<!tpu.dma_semaphore, #tpu.memory_space<semaphore_mem>>)
      %dma_start3A_326 = arith.constant 22 : i32
      %dma_start3A_327 = arith.constant 2816 : i32
      %dma_start3A_328 = arith.constant 0 : i32
      %dma_start3A_329 = tpu.memref_slice %arg7[%dma_start3A_327, %dma_start3A_328] : memref<3200x8xf32, #tpu.memory_space<vmem>> -> memref<128x8xf32, #tpu.memory_space<vmem>>
      %dma_start3A_330 = arith.constant 0 : i32
      %dma_start3A_331 = tpu.memref_slice %arg6[%dma_start3A_326, %dma_start3A_330] : memref<25x128xi32, #tpu.memory_space<vmem>> -> memref<1x128xi32, #tpu.memory_space<vmem>>
      %dma_start3A_332 = tpu.memref_squeeze %dma_start3A_331 : memref<1x128xi32, #tpu.memory_space<vmem>> -> memref<128xi32, #tpu.memory_space<vmem>>
      %dma_start3A_333 = arith.constant 0 : i32
      %dma_start3A_334 = arith.constant 0 : i32
      %dma_start3A_335 = tpu.memref_slice %arg2[%dma_start3A_333, %dma_start3A_334] : memref<100000x8xf32, #tpu.memory_space<hbm>> -> memref<100000x8xf32, #tpu.memory_space<hbm>>
      tpu.enqueue_indirect_dma source(%dma_start3A_335 : memref<100000x8xf32, #tpu.memory_space<hbm>>) target(%dma_start3A_329 : memref<128x8xf32, #tpu.memory_space<vmem>>) offsets(%dma_start3A_332 : memref<128xi32, #tpu.memory_space<vmem>>) semaphore(%arg10 : memref<!tpu.dma_semaphore, #tpu.memory_space<semaphore_mem>>)
      %dma_start3A_336 = arith.constant 23 : i32
      %dma_start3A_337 = arith.constant 2944 : i32
      %dma_start3A_338 = arith.constant 0 : i32
      %dma_start3A_339 = tpu.memref_slice %arg7[%dma_start3A_337, %dma_start3A_338] : memref<3200x8xf32, #tpu.memory_space<vmem>> -> memref<128x8xf32, #tpu.memory_space<vmem>>
      %dma_start3A_340 = arith.constant 0 : i32
      %dma_start3A_341 = tpu.memref_slice %arg6[%dma_start3A_336, %dma_start3A_340] : memref<25x128xi32, #tpu.memory_space<vmem>> -> memref<1x128xi32, #tpu.memory_space<vmem>>
      %dma_start3A_342 = tpu.memref_squeeze %dma_start3A_341 : memref<1x128xi32, #tpu.memory_space<vmem>> -> memref<128xi32, #tpu.memory_space<vmem>>
      %dma_start3A_343 = arith.constant 0 : i32
      %dma_start3A_344 = arith.constant 0 : i32
      %dma_start3A_345 = tpu.memref_slice %arg2[%dma_start3A_343, %dma_start3A_344] : memref<100000x8xf32, #tpu.memory_space<hbm>> -> memref<100000x8xf32, #tpu.memory_space<hbm>>
      tpu.enqueue_indirect_dma source(%dma_start3A_345 : memref<100000x8xf32, #tpu.memory_space<hbm>>) target(%dma_start3A_339 : memref<128x8xf32, #tpu.memory_space<vmem>>) offsets(%dma_start3A_342 : memref<128xi32, #tpu.memory_space<vmem>>) semaphore(%arg10 : memref<!tpu.dma_semaphore, #tpu.memory_space<semaphore_mem>>)
      %dma_start3A_346 = arith.constant 24 : i32
      %dma_start3A_347 = arith.constant 3072 : i32
      %dma_start3A_348 = arith.constant 0 : i32
      %dma_start3A_349 = tpu.memref_slice %arg7[%dma_start3A_347, %dma_start3A_348] : memref<3200x8xf32, #tpu.memory_space<vmem>> -> memref<128x8xf32, #tpu.memory_space<vmem>>
      %dma_start3A_350 = arith.constant 0 : i32
      %dma_start3A_351 = tpu.memref_slice %arg6[%dma_start3A_346, %dma_start3A_350] : memref<25x128xi32, #tpu.memory_space<vmem>> -> memref<1x128xi32, #tpu.memory_space<vmem>>
      %dma_start3A_352 = tpu.memref_squeeze %dma_start3A_351 : memref<1x128xi32, #tpu.memory_space<vmem>> -> memref<128xi32, #tpu.memory_space<vmem>>
      %dma_start3A_353 = arith.constant 0 : i32
      %dma_start3A_354 = arith.constant 0 : i32
      %dma_start3A_355 = tpu.memref_slice %arg2[%dma_start3A_353, %dma_start3A_354] : memref<100000x8xf32, #tpu.memory_space<hbm>> -> memref<100000x8xf32, #tpu.memory_space<hbm>>
      tpu.enqueue_indirect_dma source(%dma_start3A_355 : memref<100000x8xf32, #tpu.memory_space<hbm>>) target(%dma_start3A_349 : memref<128x8xf32, #tpu.memory_space<vmem>>) offsets(%dma_start3A_352 : memref<128xi32, #tpu.memory_space<vmem>>) semaphore(%arg10 : memref<!tpu.dma_semaphore, #tpu.memory_space<semaphore_mem>>)
      %dma_wait3A = arith.constant 0 : i32
      %dma_wait3A_356 = arith.constant 0 : i32
      %dma_wait3A_357 = arith.constant 0 : i32
      %dma_wait3A_358 = tpu.memref_slice %arg7[%dma_wait3A_356, %dma_wait3A_357] : memref<3200x8xf32, #tpu.memory_space<vmem>> -> memref<128x8xf32, #tpu.memory_space<vmem>>
      %dma_wait3A_359 = arith.constant 0 : i32
      %dma_wait3A_360 = tpu.memref_slice %arg6[%dma_wait3A, %dma_wait3A_359] : memref<25x128xi32, #tpu.memory_space<vmem>> -> memref<1x128xi32, #tpu.memory_space<vmem>>
      %dma_wait3A_361 = tpu.memref_squeeze %dma_wait3A_360 : memref<1x128xi32, #tpu.memory_space<vmem>> -> memref<128xi32, #tpu.memory_space<vmem>>
      %dma_wait3A_362 = arith.constant 0 : i32
      %dma_wait3A_363 = arith.constant 0 : i32
      %dma_wait3A_364 = tpu.memref_slice %arg2[%dma_wait3A_362, %dma_wait3A_363] : memref<100000x8xf32, #tpu.memory_space<hbm>> -> memref<100000x8xf32, #tpu.memory_space<hbm>>
      tpu.wait_indirect_dma semaphore(%arg10 : memref<!tpu.dma_semaphore, #tpu.memory_space<semaphore_mem>>) src(%dma_wait3A_364 : memref<100000x8xf32, #tpu.memory_space<hbm>>) dst(%dma_wait3A_358 : memref<128x8xf32, #tpu.memory_space<vmem>>)
      %dma_wait3A_365 = arith.constant 1 : i32
      %dma_wait3A_366 = arith.constant 128 : i32
      %dma_wait3A_367 = arith.constant 0 : i32
      %dma_wait3A_368 = tpu.memref_slice %arg7[%dma_wait3A_366, %dma_wait3A_367] : memref<3200x8xf32, #tpu.memory_space<vmem>> -> memref<128x8xf32, #tpu.memory_space<vmem>>
      %dma_wait3A_369 = arith.constant 0 : i32
      %dma_wait3A_370 = tpu.memref_slice %arg6[%dma_wait3A_365, %dma_wait3A_369] : memref<25x128xi32, #tpu.memory_space<vmem>> -> memref<1x128xi32, #tpu.memory_space<vmem>>
      %dma_wait3A_371 = tpu.memref_squeeze %dma_wait3A_370 : memref<1x128xi32, #tpu.memory_space<vmem>> -> memref<128xi32, #tpu.memory_space<vmem>>
      %dma_wait3A_372 = arith.constant 0 : i32
      %dma_wait3A_373 = arith.constant 0 : i32
      %dma_wait3A_374 = tpu.memref_slice %arg2[%dma_wait3A_372, %dma_wait3A_373] : memref<100000x8xf32, #tpu.memory_space<hbm>> -> memref<100000x8xf32, #tpu.memory_space<hbm>>
      tpu.wait_indirect_dma semaphore(%arg10 : memref<!tpu.dma_semaphore, #tpu.memory_space<semaphore_mem>>) src(%dma_wait3A_374 : memref<100000x8xf32, #tpu.memory_space<hbm>>) dst(%dma_wait3A_368 : memref<128x8xf32, #tpu.memory_space<vmem>>)
      %dma_wait3A_375 = arith.constant 2 : i32
      %dma_wait3A_376 = arith.constant 256 : i32
      %dma_wait3A_377 = arith.constant 0 : i32
      %dma_wait3A_378 = tpu.memref_slice %arg7[%dma_wait3A_376, %dma_wait3A_377] : memref<3200x8xf32, #tpu.memory_space<vmem>> -> memref<128x8xf32, #tpu.memory_space<vmem>>
      %dma_wait3A_379 = arith.constant 0 : i32
      %dma_wait3A_380 = tpu.memref_slice %arg6[%dma_wait3A_375, %dma_wait3A_379] : memref<25x128xi32, #tpu.memory_space<vmem>> -> memref<1x128xi32, #tpu.memory_space<vmem>>
      %dma_wait3A_381 = tpu.memref_squeeze %dma_wait3A_380 : memref<1x128xi32, #tpu.memory_space<vmem>> -> memref<128xi32, #tpu.memory_space<vmem>>
      %dma_wait3A_382 = arith.constant 0 : i32
      %dma_wait3A_383 = arith.constant 0 : i32
      %dma_wait3A_384 = tpu.memref_slice %arg2[%dma_wait3A_382, %dma_wait3A_383] : memref<100000x8xf32, #tpu.memory_space<hbm>> -> memref<100000x8xf32, #tpu.memory_space<hbm>>
      tpu.wait_indirect_dma semaphore(%arg10 : memref<!tpu.dma_semaphore, #tpu.memory_space<semaphore_mem>>) src(%dma_wait3A_384 : memref<100000x8xf32, #tpu.memory_space<hbm>>) dst(%dma_wait3A_378 : memref<128x8xf32, #tpu.memory_space<vmem>>)
      %dma_wait3A_385 = arith.constant 3 : i32
      %dma_wait3A_386 = arith.constant 384 : i32
      %dma_wait3A_387 = arith.constant 0 : i32
      %dma_wait3A_388 = tpu.memref_slice %arg7[%dma_wait3A_386, %dma_wait3A_387] : memref<3200x8xf32, #tpu.memory_space<vmem>> -> memref<128x8xf32, #tpu.memory_space<vmem>>
      %dma_wait3A_389 = arith.constant 0 : i32
      %dma_wait3A_390 = tpu.memref_slice %arg6[%dma_wait3A_385, %dma_wait3A_389] : memref<25x128xi32, #tpu.memory_space<vmem>> -> memref<1x128xi32, #tpu.memory_space<vmem>>
      %dma_wait3A_391 = tpu.memref_squeeze %dma_wait3A_390 : memref<1x128xi32, #tpu.memory_space<vmem>> -> memref<128xi32, #tpu.memory_space<vmem>>
      %dma_wait3A_392 = arith.constant 0 : i32
      %dma_wait3A_393 = arith.constant 0 : i32
      %dma_wait3A_394 = tpu.memref_slice %arg2[%dma_wait3A_392, %dma_wait3A_393] : memref<100000x8xf32, #tpu.memory_space<hbm>> -> memref<100000x8xf32, #tpu.memory_space<hbm>>
      tpu.wait_indirect_dma semaphore(%arg10 : memref<!tpu.dma_semaphore, #tpu.memory_space<semaphore_mem>>) src(%dma_wait3A_394 : memref<100000x8xf32, #tpu.memory_space<hbm>>) dst(%dma_wait3A_388 : memref<128x8xf32, #tpu.memory_space<vmem>>)
      %dma_wait3A_395 = arith.constant 4 : i32
      %dma_wait3A_396 = arith.constant 512 : i32
      %dma_wait3A_397 = arith.constant 0 : i32
      %dma_wait3A_398 = tpu.memref_slice %arg7[%dma_wait3A_396, %dma_wait3A_397] : memref<3200x8xf32, #tpu.memory_space<vmem>> -> memref<128x8xf32, #tpu.memory_space<vmem>>
      %dma_wait3A_399 = arith.constant 0 : i32
      %dma_wait3A_400 = tpu.memref_slice %arg6[%dma_wait3A_395, %dma_wait3A_399] : memref<25x128xi32, #tpu.memory_space<vmem>> -> memref<1x128xi32, #tpu.memory_space<vmem>>
      %dma_wait3A_401 = tpu.memref_squeeze %dma_wait3A_400 : memref<1x128xi32, #tpu.memory_space<vmem>> -> memref<128xi32, #tpu.memory_space<vmem>>
      %dma_wait3A_402 = arith.constant 0 : i32
      %dma_wait3A_403 = arith.constant 0 : i32
      %dma_wait3A_404 = tpu.memref_slice %arg2[%dma_wait3A_402, %dma_wait3A_403] : memref<100000x8xf32, #tpu.memory_space<hbm>> -> memref<100000x8xf32, #tpu.memory_space<hbm>>
      tpu.wait_indirect_dma semaphore(%arg10 : memref<!tpu.dma_semaphore, #tpu.memory_space<semaphore_mem>>) src(%dma_wait3A_404 : memref<100000x8xf32, #tpu.memory_space<hbm>>) dst(%dma_wait3A_398 : memref<128x8xf32, #tpu.memory_space<vmem>>)
      %dma_wait3A_405 = arith.constant 5 : i32
      %dma_wait3A_406 = arith.constant 640 : i32
      %dma_wait3A_407 = arith.constant 0 : i32
      %dma_wait3A_408 = tpu.memref_slice %arg7[%dma_wait3A_406, %dma_wait3A_407] : memref<3200x8xf32, #tpu.memory_space<vmem>> -> memref<128x8xf32, #tpu.memory_space<vmem>>
      %dma_wait3A_409 = arith.constant 0 : i32
      %dma_wait3A_410 = tpu.memref_slice %arg6[%dma_wait3A_405, %dma_wait3A_409] : memref<25x128xi32, #tpu.memory_space<vmem>> -> memref<1x128xi32, #tpu.memory_space<vmem>>
      %dma_wait3A_411 = tpu.memref_squeeze %dma_wait3A_410 : memref<1x128xi32, #tpu.memory_space<vmem>> -> memref<128xi32, #tpu.memory_space<vmem>>
      %dma_wait3A_412 = arith.constant 0 : i32
      %dma_wait3A_413 = arith.constant 0 : i32
      %dma_wait3A_414 = tpu.memref_slice %arg2[%dma_wait3A_412, %dma_wait3A_413] : memref<100000x8xf32, #tpu.memory_space<hbm>> -> memref<100000x8xf32, #tpu.memory_space<hbm>>
      tpu.wait_indirect_dma semaphore(%arg10 : memref<!tpu.dma_semaphore, #tpu.memory_space<semaphore_mem>>) src(%dma_wait3A_414 : memref<100000x8xf32, #tpu.memory_space<hbm>>) dst(%dma_wait3A_408 : memref<128x8xf32, #tpu.memory_space<vmem>>)
      %dma_wait3A_415 = arith.constant 6 : i32
      %dma_wait3A_416 = arith.constant 768 : i32
      %dma_wait3A_417 = arith.constant 0 : i32
      %dma_wait3A_418 = tpu.memref_slice %arg7[%dma_wait3A_416, %dma_wait3A_417] : memref<3200x8xf32, #tpu.memory_space<vmem>> -> memref<128x8xf32, #tpu.memory_space<vmem>>
      %dma_wait3A_419 = arith.constant 0 : i32
      %dma_wait3A_420 = tpu.memref_slice %arg6[%dma_wait3A_415, %dma_wait3A_419] : memref<25x128xi32, #tpu.memory_space<vmem>> -> memref<1x128xi32, #tpu.memory_space<vmem>>
      %dma_wait3A_421 = tpu.memref_squeeze %dma_wait3A_420 : memref<1x128xi32, #tpu.memory_space<vmem>> -> memref<128xi32, #tpu.memory_space<vmem>>
      %dma_wait3A_422 = arith.constant 0 : i32
      %dma_wait3A_423 = arith.constant 0 : i32
      %dma_wait3A_424 = tpu.memref_slice %arg2[%dma_wait3A_422, %dma_wait3A_423] : memref<100000x8xf32, #tpu.memory_space<hbm>> -> memref<100000x8xf32, #tpu.memory_space<hbm>>
      tpu.wait_indirect_dma semaphore(%arg10 : memref<!tpu.dma_semaphore, #tpu.memory_space<semaphore_mem>>) src(%dma_wait3A_424 : memref<100000x8xf32, #tpu.memory_space<hbm>>) dst(%dma_wait3A_418 : memref<128x8xf32, #tpu.memory_space<vmem>>)
      %dma_wait3A_425 = arith.constant 7 : i32
      %dma_wait3A_426 = arith.constant 896 : i32
      %dma_wait3A_427 = arith.constant 0 : i32
      %dma_wait3A_428 = tpu.memref_slice %arg7[%dma_wait3A_426, %dma_wait3A_427] : memref<3200x8xf32, #tpu.memory_space<vmem>> -> memref<128x8xf32, #tpu.memory_space<vmem>>
      %dma_wait3A_429 = arith.constant 0 : i32
      %dma_wait3A_430 = tpu.memref_slice %arg6[%dma_wait3A_425, %dma_wait3A_429] : memref<25x128xi32, #tpu.memory_space<vmem>> -> memref<1x128xi32, #tpu.memory_space<vmem>>
      %dma_wait3A_431 = tpu.memref_squeeze %dma_wait3A_430 : memref<1x128xi32, #tpu.memory_space<vmem>> -> memref<128xi32, #tpu.memory_space<vmem>>
      %dma_wait3A_432 = arith.constant 0 : i32
      %dma_wait3A_433 = arith.constant 0 : i32
      %dma_wait3A_434 = tpu.memref_slice %arg2[%dma_wait3A_432, %dma_wait3A_433] : memref<100000x8xf32, #tpu.memory_space<hbm>> -> memref<100000x8xf32, #tpu.memory_space<hbm>>
      tpu.wait_indirect_dma semaphore(%arg10 : memref<!tpu.dma_semaphore, #tpu.memory_space<semaphore_mem>>) src(%dma_wait3A_434 : memref<100000x8xf32, #tpu.memory_space<hbm>>) dst(%dma_wait3A_428 : memref<128x8xf32, #tpu.memory_space<vmem>>)
      %dma_wait3A_435 = arith.constant 8 : i32
      %dma_wait3A_436 = arith.constant 1024 : i32
      %dma_wait3A_437 = arith.constant 0 : i32
      %dma_wait3A_438 = tpu.memref_slice %arg7[%dma_wait3A_436, %dma_wait3A_437] : memref<3200x8xf32, #tpu.memory_space<vmem>> -> memref<128x8xf32, #tpu.memory_space<vmem>>
      %dma_wait3A_439 = arith.constant 0 : i32
      %dma_wait3A_440 = tpu.memref_slice %arg6[%dma_wait3A_435, %dma_wait3A_439] : memref<25x128xi32, #tpu.memory_space<vmem>> -> memref<1x128xi32, #tpu.memory_space<vmem>>
      %dma_wait3A_441 = tpu.memref_squeeze %dma_wait3A_440 : memref<1x128xi32, #tpu.memory_space<vmem>> -> memref<128xi32, #tpu.memory_space<vmem>>
      %dma_wait3A_442 = arith.constant 0 : i32
      %dma_wait3A_443 = arith.constant 0 : i32
      %dma_wait3A_444 = tpu.memref_slice %arg2[%dma_wait3A_442, %dma_wait3A_443] : memref<100000x8xf32, #tpu.memory_space<hbm>> -> memref<100000x8xf32, #tpu.memory_space<hbm>>
      tpu.wait_indirect_dma semaphore(%arg10 : memref<!tpu.dma_semaphore, #tpu.memory_space<semaphore_mem>>) src(%dma_wait3A_444 : memref<100000x8xf32, #tpu.memory_space<hbm>>) dst(%dma_wait3A_438 : memref<128x8xf32, #tpu.memory_space<vmem>>)
      %dma_wait3A_445 = arith.constant 9 : i32
      %dma_wait3A_446 = arith.constant 1152 : i32
      %dma_wait3A_447 = arith.constant 0 : i32
      %dma_wait3A_448 = tpu.memref_slice %arg7[%dma_wait3A_446, %dma_wait3A_447] : memref<3200x8xf32, #tpu.memory_space<vmem>> -> memref<128x8xf32, #tpu.memory_space<vmem>>
      %dma_wait3A_449 = arith.constant 0 : i32
      %dma_wait3A_450 = tpu.memref_slice %arg6[%dma_wait3A_445, %dma_wait3A_449] : memref<25x128xi32, #tpu.memory_space<vmem>> -> memref<1x128xi32, #tpu.memory_space<vmem>>
      %dma_wait3A_451 = tpu.memref_squeeze %dma_wait3A_450 : memref<1x128xi32, #tpu.memory_space<vmem>> -> memref<128xi32, #tpu.memory_space<vmem>>
      %dma_wait3A_452 = arith.constant 0 : i32
      %dma_wait3A_453 = arith.constant 0 : i32
      %dma_wait3A_454 = tpu.memref_slice %arg2[%dma_wait3A_452, %dma_wait3A_453] : memref<100000x8xf32, #tpu.memory_space<hbm>> -> memref<100000x8xf32, #tpu.memory_space<hbm>>
      tpu.wait_indirect_dma semaphore(%arg10 : memref<!tpu.dma_semaphore, #tpu.memory_space<semaphore_mem>>) src(%dma_wait3A_454 : memref<100000x8xf32, #tpu.memory_space<hbm>>) dst(%dma_wait3A_448 : memref<128x8xf32, #tpu.memory_space<vmem>>)
      %dma_wait3A_455 = arith.constant 10 : i32
      %dma_wait3A_456 = arith.constant 1280 : i32
      %dma_wait3A_457 = arith.constant 0 : i32
      %dma_wait3A_458 = tpu.memref_slice %arg7[%dma_wait3A_456, %dma_wait3A_457] : memref<3200x8xf32, #tpu.memory_space<vmem>> -> memref<128x8xf32, #tpu.memory_space<vmem>>
      %dma_wait3A_459 = arith.constant 0 : i32
      %dma_wait3A_460 = tpu.memref_slice %arg6[%dma_wait3A_455, %dma_wait3A_459] : memref<25x128xi32, #tpu.memory_space<vmem>> -> memref<1x128xi32, #tpu.memory_space<vmem>>
      %dma_wait3A_461 = tpu.memref_squeeze %dma_wait3A_460 : memref<1x128xi32, #tpu.memory_space<vmem>> -> memref<128xi32, #tpu.memory_space<vmem>>
      %dma_wait3A_462 = arith.constant 0 : i32
      %dma_wait3A_463 = arith.constant 0 : i32
      %dma_wait3A_464 = tpu.memref_slice %arg2[%dma_wait3A_462, %dma_wait3A_463] : memref<100000x8xf32, #tpu.memory_space<hbm>> -> memref<100000x8xf32, #tpu.memory_space<hbm>>
      tpu.wait_indirect_dma semaphore(%arg10 : memref<!tpu.dma_semaphore, #tpu.memory_space<semaphore_mem>>) src(%dma_wait3A_464 : memref<100000x8xf32, #tpu.memory_space<hbm>>) dst(%dma_wait3A_458 : memref<128x8xf32, #tpu.memory_space<vmem>>)
      %dma_wait3A_465 = arith.constant 11 : i32
      %dma_wait3A_466 = arith.constant 1408 : i32
      %dma_wait3A_467 = arith.constant 0 : i32
      %dma_wait3A_468 = tpu.memref_slice %arg7[%dma_wait3A_466, %dma_wait3A_467] : memref<3200x8xf32, #tpu.memory_space<vmem>> -> memref<128x8xf32, #tpu.memory_space<vmem>>
      %dma_wait3A_469 = arith.constant 0 : i32
      %dma_wait3A_470 = tpu.memref_slice %arg6[%dma_wait3A_465, %dma_wait3A_469] : memref<25x128xi32, #tpu.memory_space<vmem>> -> memref<1x128xi32, #tpu.memory_space<vmem>>
      %dma_wait3A_471 = tpu.memref_squeeze %dma_wait3A_470 : memref<1x128xi32, #tpu.memory_space<vmem>> -> memref<128xi32, #tpu.memory_space<vmem>>
      %dma_wait3A_472 = arith.constant 0 : i32
      %dma_wait3A_473 = arith.constant 0 : i32
      %dma_wait3A_474 = tpu.memref_slice %arg2[%dma_wait3A_472, %dma_wait3A_473] : memref<100000x8xf32, #tpu.memory_space<hbm>> -> memref<100000x8xf32, #tpu.memory_space<hbm>>
      tpu.wait_indirect_dma semaphore(%arg10 : memref<!tpu.dma_semaphore, #tpu.memory_space<semaphore_mem>>) src(%dma_wait3A_474 : memref<100000x8xf32, #tpu.memory_space<hbm>>) dst(%dma_wait3A_468 : memref<128x8xf32, #tpu.memory_space<vmem>>)
      %dma_wait3A_475 = arith.constant 12 : i32
      %dma_wait3A_476 = arith.constant 1536 : i32
      %dma_wait3A_477 = arith.constant 0 : i32
      %dma_wait3A_478 = tpu.memref_slice %arg7[%dma_wait3A_476, %dma_wait3A_477] : memref<3200x8xf32, #tpu.memory_space<vmem>> -> memref<128x8xf32, #tpu.memory_space<vmem>>
      %dma_wait3A_479 = arith.constant 0 : i32
      %dma_wait3A_480 = tpu.memref_slice %arg6[%dma_wait3A_475, %dma_wait3A_479] : memref<25x128xi32, #tpu.memory_space<vmem>> -> memref<1x128xi32, #tpu.memory_space<vmem>>
      %dma_wait3A_481 = tpu.memref_squeeze %dma_wait3A_480 : memref<1x128xi32, #tpu.memory_space<vmem>> -> memref<128xi32, #tpu.memory_space<vmem>>
      %dma_wait3A_482 = arith.constant 0 : i32
      %dma_wait3A_483 = arith.constant 0 : i32
      %dma_wait3A_484 = tpu.memref_slice %arg2[%dma_wait3A_482, %dma_wait3A_483] : memref<100000x8xf32, #tpu.memory_space<hbm>> -> memref<100000x8xf32, #tpu.memory_space<hbm>>
      tpu.wait_indirect_dma semaphore(%arg10 : memref<!tpu.dma_semaphore, #tpu.memory_space<semaphore_mem>>) src(%dma_wait3A_484 : memref<100000x8xf32, #tpu.memory_space<hbm>>) dst(%dma_wait3A_478 : memref<128x8xf32, #tpu.memory_space<vmem>>)
      %dma_wait3A_485 = arith.constant 13 : i32
      %dma_wait3A_486 = arith.constant 1664 : i32
      %dma_wait3A_487 = arith.constant 0 : i32
      %dma_wait3A_488 = tpu.memref_slice %arg7[%dma_wait3A_486, %dma_wait3A_487] : memref<3200x8xf32, #tpu.memory_space<vmem>> -> memref<128x8xf32, #tpu.memory_space<vmem>>
      %dma_wait3A_489 = arith.constant 0 : i32
      %dma_wait3A_490 = tpu.memref_slice %arg6[%dma_wait3A_485, %dma_wait3A_489] : memref<25x128xi32, #tpu.memory_space<vmem>> -> memref<1x128xi32, #tpu.memory_space<vmem>>
      %dma_wait3A_491 = tpu.memref_squeeze %dma_wait3A_490 : memref<1x128xi32, #tpu.memory_space<vmem>> -> memref<128xi32, #tpu.memory_space<vmem>>
      %dma_wait3A_492 = arith.constant 0 : i32
      %dma_wait3A_493 = arith.constant 0 : i32
      %dma_wait3A_494 = tpu.memref_slice %arg2[%dma_wait3A_492, %dma_wait3A_493] : memref<100000x8xf32, #tpu.memory_space<hbm>> -> memref<100000x8xf32, #tpu.memory_space<hbm>>
      tpu.wait_indirect_dma semaphore(%arg10 : memref<!tpu.dma_semaphore, #tpu.memory_space<semaphore_mem>>) src(%dma_wait3A_494 : memref<100000x8xf32, #tpu.memory_space<hbm>>) dst(%dma_wait3A_488 : memref<128x8xf32, #tpu.memory_space<vmem>>)
      %dma_wait3A_495 = arith.constant 14 : i32
      %dma_wait3A_496 = arith.constant 1792 : i32
      %dma_wait3A_497 = arith.constant 0 : i32
      %dma_wait3A_498 = tpu.memref_slice %arg7[%dma_wait3A_496, %dma_wait3A_497] : memref<3200x8xf32, #tpu.memory_space<vmem>> -> memref<128x8xf32, #tpu.memory_space<vmem>>
      %dma_wait3A_499 = arith.constant 0 : i32
      %dma_wait3A_500 = tpu.memref_slice %arg6[%dma_wait3A_495, %dma_wait3A_499] : memref<25x128xi32, #tpu.memory_space<vmem>> -> memref<1x128xi32, #tpu.memory_space<vmem>>
      %dma_wait3A_501 = tpu.memref_squeeze %dma_wait3A_500 : memref<1x128xi32, #tpu.memory_space<vmem>> -> memref<128xi32, #tpu.memory_space<vmem>>
      %dma_wait3A_502 = arith.constant 0 : i32
      %dma_wait3A_503 = arith.constant 0 : i32
      %dma_wait3A_504 = tpu.memref_slice %arg2[%dma_wait3A_502, %dma_wait3A_503] : memref<100000x8xf32, #tpu.memory_space<hbm>> -> memref<100000x8xf32, #tpu.memory_space<hbm>>
      tpu.wait_indirect_dma semaphore(%arg10 : memref<!tpu.dma_semaphore, #tpu.memory_space<semaphore_mem>>) src(%dma_wait3A_504 : memref<100000x8xf32, #tpu.memory_space<hbm>>) dst(%dma_wait3A_498 : memref<128x8xf32, #tpu.memory_space<vmem>>)
      %dma_wait3A_505 = arith.constant 15 : i32
      %dma_wait3A_506 = arith.constant 1920 : i32
      %dma_wait3A_507 = arith.constant 0 : i32
      %dma_wait3A_508 = tpu.memref_slice %arg7[%dma_wait3A_506, %dma_wait3A_507] : memref<3200x8xf32, #tpu.memory_space<vmem>> -> memref<128x8xf32, #tpu.memory_space<vmem>>
      %dma_wait3A_509 = arith.constant 0 : i32
      %dma_wait3A_510 = tpu.memref_slice %arg6[%dma_wait3A_505, %dma_wait3A_509] : memref<25x128xi32, #tpu.memory_space<vmem>> -> memref<1x128xi32, #tpu.memory_space<vmem>>
      %dma_wait3A_511 = tpu.memref_squeeze %dma_wait3A_510 : memref<1x128xi32, #tpu.memory_space<vmem>> -> memref<128xi32, #tpu.memory_space<vmem>>
      %dma_wait3A_512 = arith.constant 0 : i32
      %dma_wait3A_513 = arith.constant 0 : i32
      %dma_wait3A_514 = tpu.memref_slice %arg2[%dma_wait3A_512, %dma_wait3A_513] : memref<100000x8xf32, #tpu.memory_space<hbm>> -> memref<100000x8xf32, #tpu.memory_space<hbm>>
      tpu.wait_indirect_dma semaphore(%arg10 : memref<!tpu.dma_semaphore, #tpu.memory_space<semaphore_mem>>) src(%dma_wait3A_514 : memref<100000x8xf32, #tpu.memory_space<hbm>>) dst(%dma_wait3A_508 : memref<128x8xf32, #tpu.memory_space<vmem>>)
      %dma_wait3A_515 = arith.constant 16 : i32
      %dma_wait3A_516 = arith.constant 2048 : i32
      %dma_wait3A_517 = arith.constant 0 : i32
      %dma_wait3A_518 = tpu.memref_slice %arg7[%dma_wait3A_516, %dma_wait3A_517] : memref<3200x8xf32, #tpu.memory_space<vmem>> -> memref<128x8xf32, #tpu.memory_space<vmem>>
      %dma_wait3A_519 = arith.constant 0 : i32
      %dma_wait3A_520 = tpu.memref_slice %arg6[%dma_wait3A_515, %dma_wait3A_519] : memref<25x128xi32, #tpu.memory_space<vmem>> -> memref<1x128xi32, #tpu.memory_space<vmem>>
      %dma_wait3A_521 = tpu.memref_squeeze %dma_wait3A_520 : memref<1x128xi32, #tpu.memory_space<vmem>> -> memref<128xi32, #tpu.memory_space<vmem>>
      %dma_wait3A_522 = arith.constant 0 : i32
      %dma_wait3A_523 = arith.constant 0 : i32
      %dma_wait3A_524 = tpu.memref_slice %arg2[%dma_wait3A_522, %dma_wait3A_523] : memref<100000x8xf32, #tpu.memory_space<hbm>> -> memref<100000x8xf32, #tpu.memory_space<hbm>>
      tpu.wait_indirect_dma semaphore(%arg10 : memref<!tpu.dma_semaphore, #tpu.memory_space<semaphore_mem>>) src(%dma_wait3A_524 : memref<100000x8xf32, #tpu.memory_space<hbm>>) dst(%dma_wait3A_518 : memref<128x8xf32, #tpu.memory_space<vmem>>)
      %dma_wait3A_525 = arith.constant 17 : i32
      %dma_wait3A_526 = arith.constant 2176 : i32
      %dma_wait3A_527 = arith.constant 0 : i32
      %dma_wait3A_528 = tpu.memref_slice %arg7[%dma_wait3A_526, %dma_wait3A_527] : memref<3200x8xf32, #tpu.memory_space<vmem>> -> memref<128x8xf32, #tpu.memory_space<vmem>>
      %dma_wait3A_529 = arith.constant 0 : i32
      %dma_wait3A_530 = tpu.memref_slice %arg6[%dma_wait3A_525, %dma_wait3A_529] : memref<25x128xi32, #tpu.memory_space<vmem>> -> memref<1x128xi32, #tpu.memory_space<vmem>>
      %dma_wait3A_531 = tpu.memref_squeeze %dma_wait3A_530 : memref<1x128xi32, #tpu.memory_space<vmem>> -> memref<128xi32, #tpu.memory_space<vmem>>
      %dma_wait3A_532 = arith.constant 0 : i32
      %dma_wait3A_533 = arith.constant 0 : i32
      %dma_wait3A_534 = tpu.memref_slice %arg2[%dma_wait3A_532, %dma_wait3A_533] : memref<100000x8xf32, #tpu.memory_space<hbm>> -> memref<100000x8xf32, #tpu.memory_space<hbm>>
      tpu.wait_indirect_dma semaphore(%arg10 : memref<!tpu.dma_semaphore, #tpu.memory_space<semaphore_mem>>) src(%dma_wait3A_534 : memref<100000x8xf32, #tpu.memory_space<hbm>>) dst(%dma_wait3A_528 : memref<128x8xf32, #tpu.memory_space<vmem>>)
      %dma_wait3A_535 = arith.constant 18 : i32
      %dma_wait3A_536 = arith.constant 2304 : i32
      %dma_wait3A_537 = arith.constant 0 : i32
      %dma_wait3A_538 = tpu.memref_slice %arg7[%dma_wait3A_536, %dma_wait3A_537] : memref<3200x8xf32, #tpu.memory_space<vmem>> -> memref<128x8xf32, #tpu.memory_space<vmem>>
      %dma_wait3A_539 = arith.constant 0 : i32
      %dma_wait3A_540 = tpu.memref_slice %arg6[%dma_wait3A_535, %dma_wait3A_539] : memref<25x128xi32, #tpu.memory_space<vmem>> -> memref<1x128xi32, #tpu.memory_space<vmem>>
      %dma_wait3A_541 = tpu.memref_squeeze %dma_wait3A_540 : memref<1x128xi32, #tpu.memory_space<vmem>> -> memref<128xi32, #tpu.memory_space<vmem>>
      %dma_wait3A_542 = arith.constant 0 : i32
      %dma_wait3A_543 = arith.constant 0 : i32
      %dma_wait3A_544 = tpu.memref_slice %arg2[%dma_wait3A_542, %dma_wait3A_543] : memref<100000x8xf32, #tpu.memory_space<hbm>> -> memref<100000x8xf32, #tpu.memory_space<hbm>>
      tpu.wait_indirect_dma semaphore(%arg10 : memref<!tpu.dma_semaphore, #tpu.memory_space<semaphore_mem>>) src(%dma_wait3A_544 : memref<100000x8xf32, #tpu.memory_space<hbm>>) dst(%dma_wait3A_538 : memref<128x8xf32, #tpu.memory_space<vmem>>)
      %dma_wait3A_545 = arith.constant 19 : i32
      %dma_wait3A_546 = arith.constant 2432 : i32
      %dma_wait3A_547 = arith.constant 0 : i32
      %dma_wait3A_548 = tpu.memref_slice %arg7[%dma_wait3A_546, %dma_wait3A_547] : memref<3200x8xf32, #tpu.memory_space<vmem>> -> memref<128x8xf32, #tpu.memory_space<vmem>>
      %dma_wait3A_549 = arith.constant 0 : i32
      %dma_wait3A_550 = tpu.memref_slice %arg6[%dma_wait3A_545, %dma_wait3A_549] : memref<25x128xi32, #tpu.memory_space<vmem>> -> memref<1x128xi32, #tpu.memory_space<vmem>>
      %dma_wait3A_551 = tpu.memref_squeeze %dma_wait3A_550 : memref<1x128xi32, #tpu.memory_space<vmem>> -> memref<128xi32, #tpu.memory_space<vmem>>
      %dma_wait3A_552 = arith.constant 0 : i32
      %dma_wait3A_553 = arith.constant 0 : i32
      %dma_wait3A_554 = tpu.memref_slice %arg2[%dma_wait3A_552, %dma_wait3A_553] : memref<100000x8xf32, #tpu.memory_space<hbm>> -> memref<100000x8xf32, #tpu.memory_space<hbm>>
      tpu.wait_indirect_dma semaphore(%arg10 : memref<!tpu.dma_semaphore, #tpu.memory_space<semaphore_mem>>) src(%dma_wait3A_554 : memref<100000x8xf32, #tpu.memory_space<hbm>>) dst(%dma_wait3A_548 : memref<128x8xf32, #tpu.memory_space<vmem>>)
      %dma_wait3A_555 = arith.constant 20 : i32
      %dma_wait3A_556 = arith.constant 2560 : i32
      %dma_wait3A_557 = arith.constant 0 : i32
      %dma_wait3A_558 = tpu.memref_slice %arg7[%dma_wait3A_556, %dma_wait3A_557] : memref<3200x8xf32, #tpu.memory_space<vmem>> -> memref<128x8xf32, #tpu.memory_space<vmem>>
      %dma_wait3A_559 = arith.constant 0 : i32
      %dma_wait3A_560 = tpu.memref_slice %arg6[%dma_wait3A_555, %dma_wait3A_559] : memref<25x128xi32, #tpu.memory_space<vmem>> -> memref<1x128xi32, #tpu.memory_space<vmem>>
      %dma_wait3A_561 = tpu.memref_squeeze %dma_wait3A_560 : memref<1x128xi32, #tpu.memory_space<vmem>> -> memref<128xi32, #tpu.memory_space<vmem>>
      %dma_wait3A_562 = arith.constant 0 : i32
      %dma_wait3A_563 = arith.constant 0 : i32
      %dma_wait3A_564 = tpu.memref_slice %arg2[%dma_wait3A_562, %dma_wait3A_563] : memref<100000x8xf32, #tpu.memory_space<hbm>> -> memref<100000x8xf32, #tpu.memory_space<hbm>>
      tpu.wait_indirect_dma semaphore(%arg10 : memref<!tpu.dma_semaphore, #tpu.memory_space<semaphore_mem>>) src(%dma_wait3A_564 : memref<100000x8xf32, #tpu.memory_space<hbm>>) dst(%dma_wait3A_558 : memref<128x8xf32, #tpu.memory_space<vmem>>)
      %dma_wait3A_565 = arith.constant 21 : i32
      %dma_wait3A_566 = arith.constant 2688 : i32
      %dma_wait3A_567 = arith.constant 0 : i32
      %dma_wait3A_568 = tpu.memref_slice %arg7[%dma_wait3A_566, %dma_wait3A_567] : memref<3200x8xf32, #tpu.memory_space<vmem>> -> memref<128x8xf32, #tpu.memory_space<vmem>>
      %dma_wait3A_569 = arith.constant 0 : i32
      %dma_wait3A_570 = tpu.memref_slice %arg6[%dma_wait3A_565, %dma_wait3A_569] : memref<25x128xi32, #tpu.memory_space<vmem>> -> memref<1x128xi32, #tpu.memory_space<vmem>>
      %dma_wait3A_571 = tpu.memref_squeeze %dma_wait3A_570 : memref<1x128xi32, #tpu.memory_space<vmem>> -> memref<128xi32, #tpu.memory_space<vmem>>
      %dma_wait3A_572 = arith.constant 0 : i32
      %dma_wait3A_573 = arith.constant 0 : i32
      %dma_wait3A_574 = tpu.memref_slice %arg2[%dma_wait3A_572, %dma_wait3A_573] : memref<100000x8xf32, #tpu.memory_space<hbm>> -> memref<100000x8xf32, #tpu.memory_space<hbm>>
      tpu.wait_indirect_dma semaphore(%arg10 : memref<!tpu.dma_semaphore, #tpu.memory_space<semaphore_mem>>) src(%dma_wait3A_574 : memref<100000x8xf32, #tpu.memory_space<hbm>>) dst(%dma_wait3A_568 : memref<128x8xf32, #tpu.memory_space<vmem>>)
      %dma_wait3A_575 = arith.constant 22 : i32
      %dma_wait3A_576 = arith.constant 2816 : i32
      %dma_wait3A_577 = arith.constant 0 : i32
      %dma_wait3A_578 = tpu.memref_slice %arg7[%dma_wait3A_576, %dma_wait3A_577] : memref<3200x8xf32, #tpu.memory_space<vmem>> -> memref<128x8xf32, #tpu.memory_space<vmem>>
      %dma_wait3A_579 = arith.constant 0 : i32
      %dma_wait3A_580 = tpu.memref_slice %arg6[%dma_wait3A_575, %dma_wait3A_579] : memref<25x128xi32, #tpu.memory_space<vmem>> -> memref<1x128xi32, #tpu.memory_space<vmem>>
      %dma_wait3A_581 = tpu.memref_squeeze %dma_wait3A_580 : memref<1x128xi32, #tpu.memory_space<vmem>> -> memref<128xi32, #tpu.memory_space<vmem>>
      %dma_wait3A_582 = arith.constant 0 : i32
      %dma_wait3A_583 = arith.constant 0 : i32
      %dma_wait3A_584 = tpu.memref_slice %arg2[%dma_wait3A_582, %dma_wait3A_583] : memref<100000x8xf32, #tpu.memory_space<hbm>> -> memref<100000x8xf32, #tpu.memory_space<hbm>>
      tpu.wait_indirect_dma semaphore(%arg10 : memref<!tpu.dma_semaphore, #tpu.memory_space<semaphore_mem>>) src(%dma_wait3A_584 : memref<100000x8xf32, #tpu.memory_space<hbm>>) dst(%dma_wait3A_578 : memref<128x8xf32, #tpu.memory_space<vmem>>)
      %dma_wait3A_585 = arith.constant 23 : i32
      %dma_wait3A_586 = arith.constant 2944 : i32
      %dma_wait3A_587 = arith.constant 0 : i32
      %dma_wait3A_588 = tpu.memref_slice %arg7[%dma_wait3A_586, %dma_wait3A_587] : memref<3200x8xf32, #tpu.memory_space<vmem>> -> memref<128x8xf32, #tpu.memory_space<vmem>>
      %dma_wait3A_589 = arith.constant 0 : i32
      %dma_wait3A_590 = tpu.memref_slice %arg6[%dma_wait3A_585, %dma_wait3A_589] : memref<25x128xi32, #tpu.memory_space<vmem>> -> memref<1x128xi32, #tpu.memory_space<vmem>>
      %dma_wait3A_591 = tpu.memref_squeeze %dma_wait3A_590 : memref<1x128xi32, #tpu.memory_space<vmem>> -> memref<128xi32, #tpu.memory_space<vmem>>
      %dma_wait3A_592 = arith.constant 0 : i32
      %dma_wait3A_593 = arith.constant 0 : i32
      %dma_wait3A_594 = tpu.memref_slice %arg2[%dma_wait3A_592, %dma_wait3A_593] : memref<100000x8xf32, #tpu.memory_space<hbm>> -> memref<100000x8xf32, #tpu.memory_space<hbm>>
      tpu.wait_indirect_dma semaphore(%arg10 : memref<!tpu.dma_semaphore, #tpu.memory_space<semaphore_mem>>) src(%dma_wait3A_594 : memref<100000x8xf32, #tpu.memory_space<hbm>>) dst(%dma_wait3A_588 : memref<128x8xf32, #tpu.memory_space<vmem>>)
      %dma_wait3A_595 = arith.constant 24 : i32
      %dma_wait3A_596 = arith.constant 3072 : i32
      %dma_wait3A_597 = arith.constant 0 : i32
      %dma_wait3A_598 = tpu.memref_slice %arg7[%dma_wait3A_596, %dma_wait3A_597] : memref<3200x8xf32, #tpu.memory_space<vmem>> -> memref<128x8xf32, #tpu.memory_space<vmem>>
      %dma_wait3A_599 = arith.constant 0 : i32
      %dma_wait3A_600 = tpu.memref_slice %arg6[%dma_wait3A_595, %dma_wait3A_599] : memref<25x128xi32, #tpu.memory_space<vmem>> -> memref<1x128xi32, #tpu.memory_space<vmem>>
      %dma_wait3A_601 = tpu.memref_squeeze %dma_wait3A_600 : memref<1x128xi32, #tpu.memory_space<vmem>> -> memref<128xi32, #tpu.memory_space<vmem>>
      %dma_wait3A_602 = arith.constant 0 : i32
      %dma_wait3A_603 = arith.constant 0 : i32
      %dma_wait3A_604 = tpu.memref_slice %arg2[%dma_wait3A_602, %dma_wait3A_603] : memref<100000x8xf32, #tpu.memory_space<hbm>> -> memref<100000x8xf32, #tpu.memory_space<hbm>>
      tpu.wait_indirect_dma semaphore(%arg10 : memref<!tpu.dma_semaphore, #tpu.memory_space<semaphore_mem>>) src(%dma_wait3A_604 : memref<100000x8xf32, #tpu.memory_space<hbm>>) dst(%dma_wait3A_598 : memref<128x8xf32, #tpu.memory_space<vmem>>)
      %scan3A_605 = arith.constant 0 : i32
      %scan3A_606 = arith.constant 100 : i32
      %scan3A_607 = arith.addi %scan3A_605, %scan3A_606 : i32
      %scan3A_608 = arith.constant 1 : i32
      %scan3A_609 = scf.for %scan3A_611 = %scan3A_605 to %scan3A_607 step %scan3A_608 iter_args(%scan3A_612 = %scan3A_101) -> (vector<16xf32>)  : i32 {
        %mul3A_613 = arith.constant 16 : i32
        %mul3A_614 = arith.muli %scan3A_611, %mul3A_613 : i32
        %add3A_615 = vector.broadcast %mul3A_614 : i32 to vector<16xi32>
        %add3A_616 = arith.addi %add3A_615, %iota3A : vector<16xi32>
        %mul3A_617 = arith.constant 2 : i32
        %mul3A_618 = vector.broadcast %mul3A_617 : i32 to vector<16xi32>
        %mul3A_619 = arith.muli %add3A_616, %mul3A_618 : vector<16xi32>
        %add3A_620 = arith.constant 1 : i32
        %add3A_621 = vector.broadcast %add3A_620 : i32 to vector<16xi32>
        %add3A_622 = arith.addi %mul3A_619, %add3A_621 : vector<16xi32>
        %gather3A = tpu.vector_load_idx %arg7[%mul3A_619, %broadcast_in_dim3A_80] : memref<3200x8xf32, #tpu.memory_space<vmem>>[vector<16xi32>, vector<16xi32>], vector<16xf32>,
        %gather3A_623 = tpu.vector_load_idx %arg7[%mul3A_619, %broadcast_in_dim3A_82] : memref<3200x8xf32, #tpu.memory_space<vmem>>[vector<16xi32>, vector<16xi32>], vector<16xf32>,
        %gather3A_624 = tpu.vector_load_idx %arg7[%mul3A_619, %broadcast_in_dim3A_84] : memref<3200x8xf32, #tpu.memory_space<vmem>>[vector<16xi32>, vector<16xi32>], vector<16xf32>,
        %gather3A_625 = tpu.vector_load_idx %arg7[%mul3A_619, %broadcast_in_dim3A_86] : memref<3200x8xf32, #tpu.memory_space<vmem>>[vector<16xi32>, vector<16xi32>], vector<16xf32>,
        %gather3A_626 = tpu.vector_load_idx %arg7[%add3A_622, %broadcast_in_dim3A_80] : memref<3200x8xf32, #tpu.memory_space<vmem>>[vector<16xi32>, vector<16xi32>], vector<16xf32>,
        %gather3A_627 = tpu.vector_load_idx %arg7[%add3A_622, %broadcast_in_dim3A_82] : memref<3200x8xf32, #tpu.memory_space<vmem>>[vector<16xi32>, vector<16xi32>], vector<16xf32>,
        %gather3A_628 = tpu.vector_load_idx %arg7[%add3A_622, %broadcast_in_dim3A_84] : memref<3200x8xf32, #tpu.memory_space<vmem>>[vector<16xi32>, vector<16xi32>], vector<16xf32>,
        %gather3A_629 = tpu.vector_load_idx %arg7[%add3A_622, %broadcast_in_dim3A_86] : memref<3200x8xf32, #tpu.memory_space<vmem>>[vector<16xi32>, vector<16xi32>], vector<16xf32>,
        %sub3A = arith.subf %gather3A, %gather3A_626 : vector<16xf32>
        %sub3A_630 = arith.subf %gather3A_623, %gather3A_627 : vector<16xf32>
        %sub3A_631 = arith.subf %gather3A_624, %gather3A_628 : vector<16xf32>
        %mul3A_632 = arith.mulf %sub3A, %get3A_3 : vector<16xf32>
        %mul3A_633 = arith.mulf %sub3A_630, %get3A_15 : vector<16xf32>
        %add3A_634 = arith.addf %mul3A_632, %mul3A_633 : vector<16xf32>
        %mul3A_635 = arith.mulf %sub3A_631, %get3A_27 : vector<16xf32>
        %add3A_636 = arith.addf %add3A_634, %mul3A_635 : vector<16xf32>
        %mul3A_637 = arith.mulf %sub3A, %get3A_7 : vector<16xf32>
        %mul3A_638 = arith.mulf %sub3A_630, %get3A_19 : vector<16xf32>
        %add3A_639 = arith.addf %mul3A_637, %mul3A_638 : vector<16xf32>
        %mul3A_640 = arith.mulf %sub3A_631, %get3A_31 : vector<16xf32>
        %add3A_641 = arith.addf %add3A_639, %mul3A_640 : vector<16xf32>
        %mul3A_642 = arith.mulf %sub3A, %get3A_11 : vector<16xf32>
        %mul3A_643 = arith.mulf %sub3A_630, %get3A_23 : vector<16xf32>
        %add3A_644 = arith.addf %mul3A_642, %mul3A_643 : vector<16xf32>
        %mul3A_645 = arith.mulf %sub3A_631, %get3A_35 : vector<16xf32>
        %add3A_646 = arith.addf %add3A_644, %mul3A_645 : vector<16xf32>
        %add3A_647 = vector.broadcast %scan3A : f32 to vector<16xf32>
        %add3A_648 = arith.addf %add3A_636, %add3A_647 : vector<16xf32>
        %convert_element_type3A = arith.fptosi %add3A_648 : vector<16xf32> to vector<16xi32>
        %convert_element_type3A_649 = arith.sitofp %convert_element_type3A : vector<16xi32> to vector<16xf32>
        %gt3A = arith.cmpf ogt, %convert_element_type3A_649, %add3A_648 : vector<16xf32>
        %sub3A_650 = vector.broadcast %scan3A_89 : f32 to vector<16xf32>
        %sub3A_651 = arith.subf %convert_element_type3A_649, %sub3A_650 : vector<16xf32>
        %select_n3A = arith.select %gt3A, %sub3A_651, %convert_element_type3A_649 : vector<16xi1>, vector<16xf32>
        %abs3A = math.absf %add3A_648 : vector<16xf32>
        %ge3A = vector.broadcast %scan3A_90 : f32 to vector<16xf32>
        %ge3A_652 = arith.cmpf oge, %abs3A, %ge3A : vector<16xf32>
        %select_n3A_653 = arith.select %ge3A_652, %add3A_648, %select_n3A : vector<16xi1>, vector<16xf32>
        %sub3A_654 = arith.subf %add3A_636, %select_n3A_653 : vector<16xf32>
        %add3A_655 = vector.broadcast %scan3A : f32 to vector<16xf32>
        %add3A_656 = arith.addf %add3A_641, %add3A_655 : vector<16xf32>
        %convert_element_type3A_657 = arith.fptosi %add3A_656 : vector<16xf32> to vector<16xi32>
        %convert_element_type3A_658 = arith.sitofp %convert_element_type3A_657 : vector<16xi32> to vector<16xf32>
        %gt3A_659 = arith.cmpf ogt, %convert_element_type3A_658, %add3A_656 : vector<16xf32>
        %sub3A_660 = vector.broadcast %scan3A_89 : f32 to vector<16xf32>
        %sub3A_661 = arith.subf %convert_element_type3A_658, %sub3A_660 : vector<16xf32>
        %select_n3A_662 = arith.select %gt3A_659, %sub3A_661, %convert_element_type3A_658 : vector<16xi1>, vector<16xf32>
        %abs3A_663 = math.absf %add3A_656 : vector<16xf32>
        %ge3A_664 = vector.broadcast %scan3A_90 : f32 to vector<16xf32>
        %ge3A_665 = arith.cmpf oge, %abs3A_663, %ge3A_664 : vector<16xf32>
        %select_n3A_666 = arith.select %ge3A_665, %add3A_656, %select_n3A_662 : vector<16xi1>, vector<16xf32>
        %sub3A_667 = arith.subf %add3A_641, %select_n3A_666 : vector<16xf32>
        %add3A_668 = vector.broadcast %scan3A : f32 to vector<16xf32>
        %add3A_669 = arith.addf %add3A_646, %add3A_668 : vector<16xf32>
        %convert_element_type3A_670 = arith.fptosi %add3A_669 : vector<16xf32> to vector<16xi32>
        %convert_element_type3A_671 = arith.sitofp %convert_element_type3A_670 : vector<16xi32> to vector<16xf32>
        %gt3A_672 = arith.cmpf ogt, %convert_element_type3A_671, %add3A_669 : vector<16xf32>
        %sub3A_673 = vector.broadcast %scan3A_89 : f32 to vector<16xf32>
        %sub3A_674 = arith.subf %convert_element_type3A_671, %sub3A_673 : vector<16xf32>
        %select_n3A_675 = arith.select %gt3A_672, %sub3A_674, %convert_element_type3A_671 : vector<16xi1>, vector<16xf32>
        %abs3A_676 = math.absf %add3A_669 : vector<16xf32>
        %ge3A_677 = vector.broadcast %scan3A_90 : f32 to vector<16xf32>
        %ge3A_678 = arith.cmpf oge, %abs3A_676, %ge3A_677 : vector<16xf32>
        %select_n3A_679 = arith.select %ge3A_678, %add3A_669, %select_n3A_675 : vector<16xi1>, vector<16xf32>
        %sub3A_680 = arith.subf %add3A_646, %select_n3A_679 : vector<16xf32>
        %mul3A_681 = arith.mulf %sub3A_654, %get3A_39 : vector<16xf32>
        %mul3A_682 = arith.mulf %sub3A_667, %get3A_51 : vector<16xf32>
        %add3A_683 = arith.addf %mul3A_681, %mul3A_682 : vector<16xf32>
        %mul3A_684 = arith.mulf %sub3A_680, %get3A_63 : vector<16xf32>
        %add3A_685 = arith.addf %add3A_683, %mul3A_684 : vector<16xf32>
        %mul3A_686 = arith.mulf %sub3A_654, %get3A_43 : vector<16xf32>
        %mul3A_687 = arith.mulf %sub3A_667, %get3A_55 : vector<16xf32>
        %add3A_688 = arith.addf %mul3A_686, %mul3A_687 : vector<16xf32>
        %mul3A_689 = arith.mulf %sub3A_680, %get3A_67 : vector<16xf32>
        %add3A_690 = arith.addf %add3A_688, %mul3A_689 : vector<16xf32>
        %mul3A_691 = arith.mulf %sub3A_654, %get3A_47 : vector<16xf32>
        %mul3A_692 = arith.mulf %sub3A_667, %get3A_59 : vector<16xf32>
        %add3A_693 = arith.addf %mul3A_691, %mul3A_692 : vector<16xf32>
        %mul3A_694 = arith.mulf %sub3A_680, %get3A_71 : vector<16xf32>
        %add3A_695 = arith.addf %add3A_693, %mul3A_694 : vector<16xf32>
        %mul3A_696 = arith.mulf %add3A_685, %add3A_685 : vector<16xf32>
        %mul3A_697 = arith.mulf %add3A_690, %add3A_690 : vector<16xf32>
        %add3A_698 = arith.addf %mul3A_696, %mul3A_697 : vector<16xf32>
        %mul3A_699 = arith.mulf %add3A_695, %add3A_695 : vector<16xf32>
        %add3A_700 = arith.addf %add3A_698, %mul3A_699 : vector<16xf32>
        %bitcast3A = vector.bitcast %add3A_700 : vector<16xf32> to vector<16xi32>
        %shift_right_arithmetic3A = arith.constant 1 : i32
        %shift_right_arithmetic3A_701 = vector.broadcast %shift_right_arithmetic3A : i32 to vector<16xi32>
        %shift_right_arithmetic3A_702 = arith.shrsi %bitcast3A, %shift_right_arithmetic3A_701 : vector<16xi32>
        %sub3A_703 = arith.constant 1597463007 : i32
        %sub3A_704 = vector.broadcast %sub3A_703 : i32 to vector<16xi32>
        %sub3A_705 = arith.subi %sub3A_704, %shift_right_arithmetic3A_702 : vector<16xi32>
        %bitcast3A_706 = vector.bitcast %sub3A_705 : vector<16xi32> to vector<16xf32>
        %mul3A_707 = vector.broadcast %scan3A : f32 to vector<16xf32>
        %mul3A_708 = arith.mulf %mul3A_707, %add3A_700 : vector<16xf32>
        %mul3A_709 = arith.mulf %mul3A_708, %bitcast3A_706 : vector<16xf32>
        %mul3A_710 = arith.mulf %mul3A_709, %bitcast3A_706 : vector<16xf32>
        %sub3A_711 = arith.constant 1.500000e+00 : f32
        %sub3A_712 = vector.broadcast %sub3A_711 : f32 to vector<16xf32>
        %sub3A_713 = arith.subf %sub3A_712, %mul3A_710 : vector<16xf32>
        %mul3A_714 = arith.mulf %bitcast3A_706, %sub3A_713 : vector<16xf32>
        %mul3A_715 = vector.broadcast %scan3A : f32 to vector<16xf32>
        %mul3A_716 = arith.mulf %mul3A_715, %add3A_700 : vector<16xf32>
        %mul3A_717 = arith.mulf %mul3A_716, %mul3A_714 : vector<16xf32>
        %mul3A_718 = arith.mulf %mul3A_717, %mul3A_714 : vector<16xf32>
        %sub3A_719 = arith.constant 1.500000e+00 : f32
        %sub3A_720 = vector.broadcast %sub3A_719 : f32 to vector<16xf32>
        %sub3A_721 = arith.subf %sub3A_720, %mul3A_718 : vector<16xf32>
        %mul3A_722 = arith.mulf %mul3A_714, %sub3A_721 : vector<16xf32>
        %mul3A_723 = vector.broadcast %scan3A : f32 to vector<16xf32>
        %mul3A_724 = arith.mulf %mul3A_723, %add3A_700 : vector<16xf32>
        %mul3A_725 = arith.mulf %mul3A_724, %mul3A_722 : vector<16xf32>
        %mul3A_726 = arith.mulf %mul3A_725, %mul3A_722 : vector<16xf32>
        %sub3A_727 = arith.constant 1.500000e+00 : f32
        %sub3A_728 = vector.broadcast %sub3A_727 : f32 to vector<16xf32>
        %sub3A_729 = arith.subf %sub3A_728, %mul3A_726 : vector<16xf32>
        %mul3A_730 = arith.mulf %mul3A_722, %sub3A_729 : vector<16xf32>
        %mul3A_731 = arith.mulf %gather3A_625, %gather3A_629 : vector<16xf32>
        %sub3A_732 = arith.subf %mul3A_730, %get3A_79 : vector<16xf32>
        %mul3A_733 = arith.mulf %mul3A_731, %sub3A_732 : vector<16xf32>
        %le3A = arith.cmpf ole, %add3A_700, %get3A_75 : vector<16xf32>
        %jit3A = arith.constant 0.000000e+00 : f32
        %broadcast_in_dim3A_734 = vector.broadcast %jit3A : f32 to vector<16xf32>
        %select_n3A_735 = arith.select %le3A, %mul3A_733, %broadcast_in_dim3A_734 : vector<16xi1>, vector<16xf32>
        %add3A_736 = arith.addf %scan3A_612, %select_n3A_735 : vector<16xf32>
        scf.yield %add3A_736 : vector<16xf32>
      }
      %scan3A_610 = arith.constant 100 : i32
      scf.yield %scan3A_609 : vector<16xf32>
    }
    %scan3A_96 = arith.constant 125 : i32
    %swap3A = arith.constant 0 : index
    %swap3A_97 = tpu.vector_load %arg9[%swap3A] {strides = array<i32>} : memref<16xf32, #tpu.memory_space<vmem>>, vector<16xf32>,
    tpu.vector_store %arg9[%swap3A], %scan3A_95 {strides = array<i32>} : memref<16xf32, #tpu.memory_space<vmem>>, vector<16xf32>,
    %mul3A_98 = arith.constant 16 : i32
    %mul3A_99 = arith.muli %add3A, %mul3A_98 : i32
    "tpu.region"() ({
      %run_scoped3A = tpu.sem_alloc : memref<!tpu.dma_semaphore, #tpu.memory_space<semaphore_mem>>
      %dma_start3A = tpu.memref_slice %arg5[%mul3A_99] : memref<512xf32, #tpu.memory_space<hbm>> -> memref<16xf32, #tpu.memory_space<hbm>>
      %dma_start3A_100 = tpu.memref_slice %arg5[%mul3A_99] : memref<512xf32, #tpu.memory_space<hbm>> -> memref<16xf32, #tpu.memory_space<hbm>>
      tpu.enqueue_dma source(%arg9 : memref<16xf32, #tpu.memory_space<vmem>>) target(%dma_start3A_100 : memref<16xf32, #tpu.memory_space<hbm>>) target_semaphore(%run_scoped3A : memref<!tpu.dma_semaphore, #tpu.memory_space<semaphore_mem>>)
      %dma_wait3A = tpu.memref_slice %arg5[%mul3A_99] : memref<512xf32, #tpu.memory_space<hbm>> -> memref<16xf32, #tpu.memory_space<hbm>>
      %dma_wait3A_101 = tpu.memref_slice %arg5[%mul3A_99] : memref<512xf32, #tpu.memory_space<hbm>> -> memref<16xf32, #tpu.memory_space<hbm>>
      tpu.wait_dma2 semaphore(%run_scoped3A : memref<!tpu.dma_semaphore, #tpu.memory_space<semaphore_mem>>) src(%arg9 : memref<16xf32, #tpu.memory_space<vmem>>) dst(%dma_wait3A_101 : memref<16xf32, #tpu.memory_space<hbm>>)
      tpu.yield
    }) : () -> ()
    return
  }
}

</mosaic_0001>

<sc_bundles>
// kernel: kernel.3.cloned.1.call-start
scs
__scs_entry_jumppad:
0x0: {  	(pc) =	sbr.rel $0x88, $3  }
0x1: {  	(tag) =	ssettag $0x0;
	lr =	simm.s32 $0x1  }
0x2: {  	[smem:$0x3F9B] =	sst lr;
	_ =	strace $0xD0000000  }
0x3: {  	_ = 	snop  }
0x4: {  	_ = 	snop  }
0x5: {  	_ = 	snop  }
0x6: {  	_ = 	snop  }
0x7: {  	_ = 	snop  }
__scs_overlays_trampoline_lowered:
0x8: {  	[smem:$0x3FAA] =	sst s0  }
0x9: {  	[smem:$0x3FAB] =	sst s1  }
0xa: {  	[smem:$0x3FAC] =	sst s2  }
0xb: {  	[smem:$0x3FAD] =	sst s3  }
0xc: {  	[smem:$0x3FAE] =	sst s4  }
0xd: {  	[smem:$0x3FAF] =	sst s5  }
0xe: {  	[smem:$0x3FB0] =	sst s6  }
0xf: {  	[smem:$0x3FB1] =	sst s7  }
0x10: {  	[smem:$0x3FB2] =	sst s8  }
0x11: {  	[smem:$0x3FB3] =	sst s9;
	s0 =	simm.s32 @!p0 $0x0  }
0x12: {  	s1 =	sld [smem:$0x3F99];
	s0 =	simm.s32 @p0 $0x1  }
0x13: {  	[smem:$0x3FB4] =	sst s0;
	s0 =	simm.s32 @!p1 $0x0  }
0x14: {  	s2 =	sld [smem:$0x3F98];
	s0 =	simm.s32 @p1 $0x1  }
0x15: {  	[smem:$0x3FB5] =	sst s0;
	s0 =	simm.s32 @!p2 $0x0  }
0x16: {  	s3 =	sld [smem:$0x3FDB];
	s0 =	simm.s32 @p2 $0x1  }
0x17: {  	s4 =	simm.s32 $0x1BF5;
	[smem:$0x3FB7] =	sst s0  }
0x18: {  	s0 =	sld [smem:$0x3F9A];
	_ =	swait.ge [sflag:s4], $0x0  }
0x19: {  	s7 =	sld [smem:$0x3F9B]  }
0x1a: {  	s8 =	sadd.s32 $0xFFFFE003, lr  }
0x1b: {  	s9 =	sadd.s32 $0xFFFFFEF7, lr;
	s5 =	simm.s32 $0xFFFFFFFF;
	p2 =	slt.u32 s8, $0xFFFFF086  }
0x1c: {  	p1 =	slt.u32 s9, $0xF7A;
	s5 =	simm.s32 @!p2 $0x0  }
0x1d: {  	s5 =	simm.s32 @p1 $0x1;
	p0 =	seq.s32 s7, s2  }
0x1e: {  	s7 =	smul.u32 @!p0 $0xF7A, s2;
	p2 =	seq.s32 @!p0 s5, $0x0  }
0x1f: {  	s9 =	smul.u32 $0xF7A, s1;
	s8 =	simm.s32 @!p0 $0x1BF5;
	p2 =	por !p2, p0  }
0x20: {  	[sflag:s8] =	ssyncset.s32 @!p0 $0xFFFFF086;
	s6 =	sadd.s32 @!p0 s3, s7;
	s7 =	simm.s32 @!p0 $0x108  }
0x21: {  	s3 =	sadd.s32 s3, s9;
	s6 =	sadd.s32 @!p0 $0x88, s6;
	s7 =	simm.s32 @p2 $0x1082  }
0x22: {  	[simem:s7], [sflag:s8] =	dma.local @!p0 [hbm:s6], $0xF7A  }
0x23: {  	s9 =	sor.u32 $0xD0000000, s2;
	s6 =	simm.s32 $0x108;
	_ =	swait.ge @!p0 [sflag:s8], $0x0  }
0x24: {  	s3 =	sadd.s32 $0x88, s3;
	s6 =	simm.s32 @!p1 $0x1082;
	[sflag:s4] =	ssyncset.s32 $0xFFFFF086  }
0x25: {  	[simem:s6], [sflag:s4] =	dma.local [hbm:s3], $0xF7A  }
0x26: {  	[smem:$0x3F9B] =	sst s1;
	(tag) =	ssettag s2;
	_ =	strace s9  }
0x27: {  	s1 =	sld [smem:$0x3FAB]  }
0x28: {  	s2 =	sld [smem:$0x3FAC]  }
0x29: {  	s4 =	sld [smem:$0x3FAE]  }
0x2a: {  	p0 =	seq.s32 s5, $0x0;
	s5 =	sld [smem:$0x3FAF]  }
0x2b: {  	s6 =	sld [smem:$0x3FB0]  }
0x2c: {  	s7 =	sld [smem:$0x3FB1]  }
0x2d: {  	s3 =	simm.s32 $0x108;
	s8 =	sld [smem:$0x3FB2]  }
0x2e: {  	s3 =	simm.s32 @!p0 $0x1082;
	s9 =	sld [smem:$0x3FB3]  }
0x2f: {  	lr =	sadd.s32 s0, s3;
	s0 =	sld [smem:$0x3FAA]  }
0x30: {  	s3 =	sld [smem:$0x3FAD]  }
0x31: {  	[smem:$0x3FB6] =	sst s10  }
0x32: {  	s10 =	sld [smem:$0x3FB4];
	_ =	sdelay $0x3  }
0x33: {  	p0 =	seq.s32 s10, $0x1;
	s10 =	sld [smem:$0x3FB6];
	_ =	sdelay $0x3  }
0x34: {  	[smem:$0x3FB6] =	sst s10  }
0x35: {  	s10 =	sld [smem:$0x3FB5];
	_ =	sdelay $0x3  }
0x36: {  	p1 =	seq.s32 s10, $0x1;
	s10 =	sld [smem:$0x3FB6];
	_ =	sdelay $0x3  }
0x37: {  	[smem:$0x3FB6] =	sst s10  }
0x38: {  	s10 =	sld [smem:$0x3FB7]  }
0x39: {  	_ = 	snop;
	(pc) =	sbr.ind lr, $3  }
0x3a: {  	_ = 	snop  }
0x3b: {  	_ = 	snop  }
0x3c: {  	p2 =	seq.s32 s10, $0x1;
	s10 =	sld [smem:$0x3FB6]  }
0x3d: {  	_ =	shalt  }
0x3e: {  	_ =	shalt  }
0x3f: {  	_ =	shalt  }
0x40: {  	_ =	shalt  }
0x41: {  	_ =	shalt  }
0x42: {  	_ =	shalt  }
0x43: {  	_ =	shalt  }
0x44: {  	_ =	shalt  }
0x45: {  	_ =	shalt  }
0x46: {  	_ =	shalt  }
0x47: {  	_ =	shalt  }
0x48: {  	_ =	shalt  }
0x49: {  	_ =	shalt  }
0x4a: {  	_ =	shalt  }
0x4b: {  	_ =	shalt  }
0x4c: {  	_ =	shalt  }
0x4d: {  	_ =	shalt  }
0x4e: {  	_ =	shalt  }
0x4f: {  	_ =	shalt  }
0x50: {  	_ =	shalt  }
0x51: {  	_ =	shalt  }
0x52: {  	_ =	shalt  }
0x53: {  	_ =	shalt  }
0x54: {  	_ =	shalt  }
0x55: {  	_ =	shalt  }
0x56: {  	_ =	shalt  }
0x57: {  	_ =	shalt  }
0x58: {  	_ =	shalt  }
0x59: {  	_ =	shalt  }
0x5a: {  	_ =	shalt  }
0x5b: {  	_ =	shalt  }
0x5c: {  	_ =	shalt  }
0x5d: {  	_ =	shalt  }
0x5e: {  	_ =	shalt  }
0x5f: {  	_ =	shalt  }
0x60: {  	_ =	shalt  }
0x61: {  	_ =	shalt  }
0x62: {  	_ =	shalt  }
0x63: {  	_ =	shalt  }
0x64: {  	_ =	shalt  }
0x65: {  	_ =	shalt  }
0x66: {  	_ =	shalt  }
0x67: {  	_ =	shalt  }
0x68: {  	_ =	shalt  }
0x69: {  	_ =	shalt  }
0x6a: {  	_ =	shalt  }
0x6b: {  	_ =	shalt  }
0x6c: {  	_ =	shalt  }
0x6d: {  	_ =	shalt  }
0x6e: {  	_ =	shalt  }
0x6f: {  	_ =	shalt  }
0x70: {  	_ =	shalt  }
0x71: {  	_ =	shalt  }
0x72: {  	_ =	shalt  }
0x73: {  	_ =	shalt  }
0x74: {  	_ =	shalt  }
0x75: {  	_ =	shalt  }
0x76: {  	_ =	shalt  }
0x77: {  	_ =	shalt  }
0x78: {  	_ =	shalt  }
0x79: {  	_ =	shalt  }
0x7a: {  	_ =	shalt  }
0x7b: {  	_ =	shalt  }
0x7c: {  	_ =	shalt  }
0x7d: {  	_ =	shalt  }
0x7e: {  	_ =	shalt  }
0x7f: {  	_ =	shalt  }
0x80: {  	_ =	shalt  }
0x81: {  	_ =	shalt  }
0x82: {  	_ =	shalt  }
0x83: {  	_ =	shalt  }
0x84: {  	_ =	shalt  }
0x85: {  	_ =	shalt  }
0x86: {  	_ =	shalt  }
0x87: {  	_ =	shalt  }
.Lfunc_end0:
.L_simem_size_0:
called_computation_lowered:
.L_overlay_start_0:
0x88: {  	s2 =	sld [smem:$0x3FD9]  }
0x89: {  	s3 =	sld [smem:$0x3FFE];
	_ =	sdelay $0x1  }
0x8a: {  	s1 =	srdreg.scid  }
0x8b: {  	s0 =	sand.u32 $0x1, s1  }
0x8c: {  	s16 =	sshll.u32 s0, $0xA;
	s2 =	sadd.s32 s3, s2  }
0x8d: {  	s2 =	sadd.s32 s2, s16  }
0x8e: {  	[smem:$0x3FC2] =	sst s2  }
0x8f: {  	_ = 	snop  }
0x90: {  	(tm) =	ssettm $0x1  }
0x91: {  	s17 =	sld [smem:$0x3FFB];
	_ =	sdelay $0x3  }
0x92: {  	_ =	strace s17  }
0x93: {  	s2 =	sld [smem:$0x3FFC];
	_ =	sdelay $0x3  }
0x94: {  	_ =	strace s2  }
0x95: {  	s2 =	sld [smem:$0x3FFD];
	_ =	sdelay $0x3  }
0x96: {  	_ =	strace s2  }
0x97: {  	_ =	strace $0x8FFFFFFF  }
0x98: {  	s18 =	sld [smem:$0x3FDB];
	_ =	sdelay $0x1  }
0x99: {  	s19 =	simm.s32 $_scs_section_size  }
0x9a: {  	s4 =	simm.s32 $_size__tile_overlayer_lowered;
	s5 =	simm.s32 $_tile_overlayer_lowered  }
0x9b: {  	s22 =	simm.s32 $0x1BFF;
	s21 =	sshll.u32 s5, $0x1;
	s2 =	sadd.s32 s19, s18  }
0x9c: {  	s6 =	simm.s32 $0x0;
	s20 =	sshll.u32 s4, $0x1;
	s4 =	sadd.s32 s21, s2  }
0x9d: {  	[timem:s6], [sflag:s22] =	dma.local [hbm:s4], s20  }
0x9e: {  	_ =	swait.ge [sflag:s22], s20  }
0x9f: {  	s3 =	ssub.s32 $0x0, s20;
	[sflag:s22] =	ssyncset.done $0x0  }
0xa0: {  	[sflag:s22] =	ssyncadd.s32 s3;
	_ =	sdelay $0x1  }
0xa1: {  	s23 =	simm.s32 $0x1B8B  }
0xa2: {  	_ =	swait.ge [sflag:s23], $0x1  }
0xa3: {  	[sflag:s23] =	ssyncset.done $0x0  }
0xa4: {  	s25 =	simm.s32 $0x1B8E;
	s24 =	sld [smem:$0x3FFE];
	[sflag:s23] =	ssyncadd.s32 $0xFFFFFFFF  }
0xa5: {  	s26 =	simm.s32 $execute0_lowered;
	[smem:$0x3FD2] =	sst s25  }
0xa6: {  	s4 =	sshll.u32 s26, $0x1;
	_ =	strace $0x80000046;
	[dreg:$0x1] =	wrdreg $0xFFFFFFFF  }
0xa7: {  	s28 =	simm.s32 $_size_execute0_lowered;
	s2 =	sadd.s32 s2, s4;
	[dreg:$0x0] =	wrdreg $0x0  }
0xa8: {  	s4 =	sshll.u32 s28, $0x1;
	[dreg:$0x2] =	wrdreg s2  }
0xa9: {  	[dreg:$0x3] =	wrdreg s4  }
0xaa: {  	[dreg:$0x4] =	wrdreg $0xC0  }
0xab: {  	_ =	task [dreg:s6], $0x5FFFF  }
0xac: {  	[dreg:$0x1] =	wrdreg $0xFFFFFFFF  }
0xad: {  	[dreg:$0x0] =	wrdreg $0x60  }
0xae: {  	[dreg:$0x2] =	wrdreg s24  }
0xaf: {  	[dreg:$0x3] =	wrdreg $0x9  }
0xb0: {  	_ =	task.clear_ibuf [dreg:s6], $0x4FFFF;
	_ =	strace $0x90000046  }
0xb1: {  	s29 =	simm.s32 $0x9;
	_ =	strace $0x80000048  }
0xb2: {  	_ =	swait.ge [sflag:s29], $0x1  }
0xb3: {  	[sflag:s29] =	ssyncadd.s32 $0xFFFFFFFF  }
0xb4: {  	_ =	strace $0x90000048  }
0xb5: {  	_ =	sfence  }
0xb6: {  	s30 =	sld [smem:$0x0];
	_ =	sdelay $0x2  }
0xb7: {  	s31 =	sshll.u32 s1, $0xD;
	s1 =	sshrl.u32 s1, $0x2  }
0xb8: {  	s3 =	sand.u32 $0x4000, s31;
	s1 =	sadd.s32 s1, s30  }
0xb9: {  	s0 =	sor.u32 s3, s0;
	s1 =	sshll.u32 s1, $0x11  }
0xba: {  	s0 =	sor.u32 s1, s0  }
0xbb: {  	s0 =	sadd.s32 $0x8F2B, s0  }
0xbc: {  	[sflag:s0] =	ssyncadd.remote.s32 $0x1  }
0xbd: {  	_ =	sfence.sel $0xFFFF  }
0xbe: {  	[dreg:$0x0] =	wrdreg $0xFFFFFFFF;
	(pc) =	sbr.abs _section_cstart, $3  }
0xbf: {  	[dreg:$0x1] =	wrdreg $0xFFFFFFFF  }
0xc0: {  	_ =	task.clear_ibuf [dreg:s6], $0x2FFFF;
	_ =	strace $0x9FFFFFFF  }
0xc1: {  	(tm) =	ssettm $0x7FFFFFFF  }
tec
execute0_lowered:
.L_overlay_start_1:
0x0: {  	(tag) =	ssettag $0x1  }
0x1: {  	s0 =	rddreg [dreg:$0x0];
	s7 =	simm.s32 $0x0;
	s1 =	srdreg.scid  }
0x2: {  	s2 =	stileid.u32;
	s10 =	simm.s32 $0x2;
	s11 =	simm.s32 $0x80  }
0x3: {  	s12 =	simm.s32 $0xC80;
	s15 =	simm.s32 $0x780;
	s16 =	simm.s32 $0x4880  }
0x4: {  	s17 =	simm.s32 $0x800;
	s18 =	simm.s32 $0x4C80;
	s19 =	simm.s32 $0x880  }
0x5: {  	s20 =	simm.s32 $0x5080;
	s21 =	simm.s32 $0x900;
	s22 =	simm.s32 $0x5480  }
0x6: {  	s23 =	simm.s32 $0x980;
	s24 =	simm.s32 $0x5880;
	s25 =	simm.s32 $0xA00  }
0x7: {  	s28 =	simm.s32 $0xA80;
	s29 =	simm.s32 $0x6080;
	s30 =	simm.s32 $0xB00  }
0x8: {  	s31 =	simm.s32 $0x6480;
	s9 =	simm.s32 $0xC00;
	s13 =	simm.s32 $0x0  }
0x9: {  	[smem:$0x7FF] =	sst s7;
	s1 =	sand.u32 $0x1, s1;
	s3 =	sadd.s32 $0x187400, s0  }
0xa: {  	s2 =	sshll.u32 s2, $0x1;
	s4 =	sadd.s32 $0x61A8A00, s0;
	s8 =	sadd.s32 $0x800, s0  }
0xb: {  	_ =	strace $0x80000047;
	s2 =	sor.u32 s1, s2;
	s1 =	ssub.s32 $0x2, s1  }
0xc: {  	[dreg:$0x2] =	wrdreg s8;
	s5 =	sshll.u32 s2, $0x1;
	s6 =	sshrl.u32 s1, $0x1  }
0xd: {  	s0 =	sadd.s32 s5, s0;
	s1 =	ssub.s32 s1, s6;
	s6 =	smul.u32 $0xC35, s2  }
0xe: {  	s2 =	simm.s32 $0x6C80;
	s5 =	simm.s32 $0x1;
	s0 =	sadd.s32 $0xA00, s0  }
0xf: {  	v0 =	vlaneseq.u32;
	s26 =	smax.u32 s1, $0x1;
	s1 =	simm.s32 $0x6880;
	[dreg:$0x3] =	wrdreg s0  }
0x10: {  	v0 =	vmul.u32 $0x10, v0;
	[dreg:$0x4] =	wrdreg s26;
	s26 =	simm.s32 $0x5C80;
	s0 =	simm.s32 $0xB80  }
.LBB2_1:
0x11: {  	[dreg:$0x5] =	wrdreg s13  }
0x12: {  	s8 =	rddreg [dreg:$0x2];
	s14 =	simm.s32 $0x7080  }
0x13: {  	[tilespmem:s14], [sflag:$0x2] =	stream.linear.gather [hbm4b:s8+s7], $0x140, $0x38;
	[tilespmem:$0x71D0] =	vst v63  }
0x14: {  	_ =	swait.ge [sflag:s10], $0x140  }
0x15: {  	[sflag:s10] =	ssyncset.done $0x0  }
0x16: {  	[sflag:s10] =	ssyncadd.s32 $0xFFFFFEC0  }
0x17: {  	v1 =	vld [tilespmem:$0x7080]  }
0x18: {  	v2 =	vld [tilespmem:$0x7090]  }
0x19: {  	v3 =	vld [tilespmem:$0x70A0]  }
0x1a: {  	v4 =	vld [tilespmem:$0x70B0]  }
0x1b: {  	v5 =	vld [tilespmem:$0x70C0]  }
0x1c: {  	v6 =	vld [tilespmem:$0x70D0]  }
0x1d: {  	v7 =	vld [tilespmem:$0x70E0]  }
0x1e: {  	v8 =	vld [tilespmem:$0x70F0]  }
0x1f: {  	v9 =	vld [tilespmem:$0x7100]  }
0x20: {  	v10 =	vld [tilespmem:$0x7110]  }
0x21: {  	v11 =	vld [tilespmem:$0x7120]  }
0x22: {  	v12 =	vld [tilespmem:$0x7130]  }
0x23: {  	v13 =	vld [tilespmem:$0x7140]  }
0x24: {  	v14 =	vld [tilespmem:$0x7150]  }
0x25: {  	v15 =	vld [tilespmem:$0x7160]  }
0x26: {  	v16 =	vld [tilespmem:$0x7170]  }
0x27: {  	v17 =	vld [tilespmem:$0x7180]  }
0x28: {  	v18 =	vld [tilespmem:$0x7190]  }
0x29: {  	v19 =	vld [tilespmem:$0x71A0]  }
0x2a: {  	v21 =	vimm.f32 $0.0e+00;
	s7 =	simm.s32 $0x0;
	v20 =	vld [tilespmem:$0x71B0]  }
.LBB2_2:
0x2b: {  	s8 =	smul.u32 $0x19, s7;
	_ =	sdelay $0x1  }
0x2c: {  	s8 =	sadd.s32 s6, s8  }
0x2d: {  	s8 =	sshll.u32 s8, $0x4  }
0x2e: {  	s13 =	sadd.s32 s4, s8;
	s8 =	simm.s32 $0x0  }
0x2f: {  	[tilespmem:s8], [sflag:$0x2] =	stream.linear.gather [hbm4b:s13+s8], $0xC80, $0x38;
	[tilespmem:$0x71D0] =	vst v63  }
0x30: {  	_ =	swait.ge [sflag:s10], $0xC80  }
0x31: {  	[sflag:s10] =	ssyncset.done $0x0  }
0x32: {  	[sflag:s10] =	ssyncadd.s32 $0xFFFFF380  }
0x33: {  	[tilespmem:s12], [sflag:$0x1] =	stream.indirect.gather [hbm4b:s3+s11], $0x8, s8, s11, $0xb8;
	[tilespmem:$0x71D0] =	vst v63  }
0x34: {  	s14 =	simm.s32 $0x1080  }
0x35: {  	[tilespmem:s14], [sflag:$0x1] =	stream.indirect.gather [hbm4b:s3+s11], $0x8, s11, s11, $0xb8;
	[tilespmem:$0x71D0] =	vst v63  }
0x36: {  	s13 =	simm.s32 $0x100;
	s14 =	simm.s32 $0x1480  }
0x37: {  	[tilespmem:s14], [sflag:$0x1] =	stream.indirect.gather [hbm4b:s3+s11], $0x8, s13, s11, $0xb8;
	[tilespmem:$0x71D0] =	vst v63  }
0x38: {  	s13 =	simm.s32 $0x180;
	s14 =	simm.s32 $0x1880  }
0x39: {  	[tilespmem:s14], [sflag:$0x1] =	stream.indirect.gather [hbm4b:s3+s11], $0x8, s13, s11, $0xb8;
	[tilespmem:$0x71D0] =	vst v63  }
0x3a: {  	s13 =	simm.s32 $0x200;
	s14 =	simm.s32 $0x1C80  }
0x3b: {  	[tilespmem:s14], [sflag:$0x1] =	stream.indirect.gather [hbm4b:s3+s11], $0x8, s13, s11, $0xb8;
	[tilespmem:$0x71D0] =	vst v63  }
0x3c: {  	s13 =	simm.s32 $0x280;
	s14 =	simm.s32 $0x2080  }
0x3d: {  	[tilespmem:s14], [sflag:$0x1] =	stream.indirect.gather [hbm4b:s3+s11], $0x8, s13, s11, $0xb8;
	[tilespmem:$0x71D0] =	vst v63  }
0x3e: {  	s13 =	simm.s32 $0x300;
	s14 =	simm.s32 $0x2480  }
0x3f: {  	[tilespmem:s14], [sflag:$0x1] =	stream.indirect.gather [hbm4b:s3+s11], $0x8, s13, s11, $0xb8;
	[tilespmem:$0x71D0] =	vst v63  }
0x40: {  	s13 =	simm.s32 $0x380;
	s14 =	simm.s32 $0x2880  }
0x41: {  	[tilespmem:s14], [sflag:$0x1] =	stream.indirect.gather [hbm4b:s3+s11], $0x8, s13, s11, $0xb8;
	[tilespmem:$0x71D0] =	vst v63  }
0x42: {  	s13 =	simm.s32 $0x400;
	s14 =	simm.s32 $0x2C80  }
0x43: {  	[tilespmem:s14], [sflag:$0x1] =	stream.indirect.gather [hbm4b:s3+s11], $0x8, s13, s11, $0xb8;
	[tilespmem:$0x71D0] =	vst v63  }
0x44: {  	s13 =	simm.s32 $0x480;
	s14 =	simm.s32 $0x3080  }
0x45: {  	[tilespmem:s14], [sflag:$0x1] =	stream.indirect.gather [hbm4b:s3+s11], $0x8, s13, s11, $0xb8;
	[tilespmem:$0x71D0] =	vst v63  }
0x46: {  	s13 =	simm.s32 $0x500;
	s14 =	simm.s32 $0x3480  }
0x47: {  	[tilespmem:s14], [sflag:$0x1] =	stream.indirect.gather [hbm4b:s3+s11], $0x8, s13, s11, $0xb8;
	[tilespmem:$0x71D0] =	vst v63  }
0x48: {  	s13 =	simm.s32 $0x580;
	s14 =	simm.s32 $0x3880  }
0x49: {  	[tilespmem:s14], [sflag:$0x1] =	stream.indirect.gather [hbm4b:s3+s11], $0x8, s13, s11, $0xb8;
	[tilespmem:$0x71D0] =	vst v63  }
0x4a: {  	s13 =	simm.s32 $0x600;
	s14 =	simm.s32 $0x3C80  }
0x4b: {  	[tilespmem:s14], [sflag:$0x1] =	stream.indirect.gather [hbm4b:s3+s11], $0x8, s13, s11, $0xb8;
	[tilespmem:$0x71D0] =	vst v63  }
0x4c: {  	s13 =	simm.s32 $0x680;
	s14 =	simm.s32 $0x4080  }
0x4d: {  	[tilespmem:s14], [sflag:$0x1] =	stream.indirect.gather [hbm4b:s3+s11], $0x8, s13, s11, $0xb8;
	[tilespmem:$0x71D0] =	vst v63  }
0x4e: {  	s13 =	simm.s32 $0x700;
	s14 =	simm.s32 $0x4480  }
0x4f: {  	[tilespmem:s14], [sflag:$0x1] =	stream.indirect.gather [hbm4b:s3+s11], $0x8, s13, s11, $0xb8;
	[tilespmem:$0x71D0] =	vst v63  }
0x50: {  	_ = 	snop  }
0x51: {  	[tilespmem:s16], [sflag:$0x1] =	stream.indirect.gather [hbm4b:s3+s11], $0x8, s15, s11, $0xb8;
	[tilespmem:$0x71D0] =	vst v63  }
0x52: {  	_ = 	snop  }
0x53: {  	[tilespmem:s18], [sflag:$0x1] =	stream.indirect.gather [hbm4b:s3+s11], $0x8, s17, s11, $0xb8;
	[tilespmem:$0x71D0] =	vst v63  }
0x54: {  	_ = 	snop  }
0x55: {  	[tilespmem:s20], [sflag:$0x1] =	stream.indirect.gather [hbm4b:s3+s11], $0x8, s19, s11, $0xb8;
	[tilespmem:$0x71D0] =	vst v63  }
0x56: {  	_ = 	snop  }
0x57: {  	[tilespmem:s22], [sflag:$0x1] =	stream.indirect.gather [hbm4b:s3+s11], $0x8, s21, s11, $0xb8;
	[tilespmem:$0x71D0] =	vst v63  }
0x58: {  	_ = 	snop  }
0x59: {  	[tilespmem:s24], [sflag:$0x1] =	stream.indirect.gather [hbm4b:s3+s11], $0x8, s23, s11, $0xb8;
	[tilespmem:$0x71D0] =	vst v63  }
0x5a: {  	_ = 	snop  }
0x5b: {  	[tilespmem:s26], [sflag:$0x1] =	stream.indirect.gather [hbm4b:s3+s11], $0x8, s25, s11, $0xb8;
	[tilespmem:$0x71D0] =	vst v63  }
0x5c: {  	_ = 	snop  }
0x5d: {  	[tilespmem:s29], [sflag:$0x1] =	stream.indirect.gather [hbm4b:s3+s11], $0x8, s28, s11, $0xb8;
	[tilespmem:$0x71D0] =	vst v63  }
0x5e: {  	_ = 	snop  }
0x5f: {  	[tilespmem:s31], [sflag:$0x1] =	stream.indirect.gather [hbm4b:s3+s11], $0x8, s30, s11, $0xb8;
	[tilespmem:$0x71D0] =	vst v63  }
0x60: {  	_ = 	snop  }
0x61: {  	[tilespmem:s1], [sflag:$0x1] =	stream.indirect.gather [hbm4b:s3+s11], $0x8, s0, s11, $0xb8;
	[tilespmem:$0x71D0] =	vst v63  }
0x62: {  	_ = 	snop  }
0x63: {  	[tilespmem:s2], [sflag:$0x1] =	stream.indirect.gather [hbm4b:s3+s11], $0x8, s9, s11, $0xb8;
	[tilespmem:$0x71D0] =	vst v63  }
0x64: {  	_ =	swait.ge [sflag:s5], $0x400  }
0x65: {  	[sflag:s5] =	ssyncset.done $0x0  }
0x66: {  	[sflag:s5] =	ssyncadd.s32 $0xFFFFFC00  }
0x67: {  	_ =	swait.ge [sflag:s5], $0x400  }
0x68: {  	[sflag:s5] =	ssyncset.done $0x0  }
0x69: {  	[sflag:s5] =	ssyncadd.s32 $0xFFFFFC00  }
0x6a: {  	_ =	swait.ge [sflag:s5], $0x400  }
0x6b: {  	[sflag:s5] =	ssyncset.done $0x0  }
0x6c: {  	[sflag:s5] =	ssyncadd.s32 $0xFFFFFC00  }
0x6d: {  	_ =	swait.ge [sflag:s5], $0x400  }
0x6e: {  	[sflag:s5] =	ssyncset.done $0x0  }
0x6f: {  	[sflag:s5] =	ssyncadd.s32 $0xFFFFFC00  }
0x70: {  	_ =	swait.ge [sflag:s5], $0x400  }
0x71: {  	[sflag:s5] =	ssyncset.done $0x0  }
0x72: {  	[sflag:s5] =	ssyncadd.s32 $0xFFFFFC00  }
0x73: {  	_ =	swait.ge [sflag:s5], $0x400  }
0x74: {  	[sflag:s5] =	ssyncset.done $0x0  }
0x75: {  	[sflag:s5] =	ssyncadd.s32 $0xFFFFFC00  }
0x76: {  	_ =	swait.ge [sflag:s5], $0x400  }
0x77: {  	[sflag:s5] =	ssyncset.done $0x0  }
0x78: {  	[sflag:s5] =	ssyncadd.s32 $0xFFFFFC00  }
0x79: {  	_ =	swait.ge [sflag:s5], $0x400  }
0x7a: {  	[sflag:s5] =	ssyncset.done $0x0  }
0x7b: {  	[sflag:s5] =	ssyncadd.s32 $0xFFFFFC00  }
0x7c: {  	_ =	swait.ge [sflag:s5], $0x400  }
0x7d: {  	[sflag:s5] =	ssyncset.done $0x0  }
0x7e: {  	[sflag:s5] =	ssyncadd.s32 $0xFFFFFC00  }
0x7f: {  	_ =	swait.ge [sflag:s5], $0x400  }
0x80: {  	[sflag:s5] =	ssyncset.done $0x0  }
0x81: {  	[sflag:s5] =	ssyncadd.s32 $0xFFFFFC00  }
0x82: {  	_ =	swait.ge [sflag:s5], $0x400  }
0x83: {  	[sflag:s5] =	ssyncset.done $0x0  }
0x84: {  	[sflag:s5] =	ssyncadd.s32 $0xFFFFFC00  }
0x85: {  	_ =	swait.ge [sflag:s5], $0x400  }
0x86: {  	[sflag:s5] =	ssyncset.done $0x0  }
0x87: {  	[sflag:s5] =	ssyncadd.s32 $0xFFFFFC00  }
0x88: {  	_ =	swait.ge [sflag:s5], $0x400  }
0x89: {  	[sflag:s5] =	ssyncset.done $0x0  }
0x8a: {  	[sflag:s5] =	ssyncadd.s32 $0xFFFFFC00  }
0x8b: {  	_ =	swait.ge [sflag:s5], $0x400  }
0x8c: {  	[sflag:s5] =	ssyncset.done $0x0  }
0x8d: {  	[sflag:s5] =	ssyncadd.s32 $0xFFFFFC00  }
0x8e: {  	_ =	swait.ge [sflag:s5], $0x400  }
0x8f: {  	[sflag:s5] =	ssyncset.done $0x0  }
0x90: {  	[sflag:s5] =	ssyncadd.s32 $0xFFFFFC00  }
0x91: {  	_ =	swait.ge [sflag:s5], $0x400  }
0x92: {  	[sflag:s5] =	ssyncset.done $0x0  }
0x93: {  	[sflag:s5] =	ssyncadd.s32 $0xFFFFFC00  }
0x94: {  	_ =	swait.ge [sflag:s5], $0x400  }
0x95: {  	[sflag:s5] =	ssyncset.done $0x0  }
0x96: {  	[sflag:s5] =	ssyncadd.s32 $0xFFFFFC00  }
0x97: {  	_ =	swait.ge [sflag:s5], $0x400  }
0x98: {  	[sflag:s5] =	ssyncset.done $0x0  }
0x99: {  	[sflag:s5] =	ssyncadd.s32 $0xFFFFFC00  }
0x9a: {  	_ =	swait.ge [sflag:s5], $0x400  }
0x9b: {  	[sflag:s5] =	ssyncset.done $0x0  }
0x9c: {  	[sflag:s5] =	ssyncadd.s32 $0xFFFFFC00  }
0x9d: {  	_ =	swait.ge [sflag:s5], $0x400  }
0x9e: {  	[sflag:s5] =	ssyncset.done $0x0  }
0x9f: {  	[sflag:s5] =	ssyncadd.s32 $0xFFFFFC00  }
0xa0: {  	_ =	swait.ge [sflag:s5], $0x400  }
0xa1: {  	[sflag:s5] =	ssyncset.done $0x0  }
0xa2: {  	[sflag:s5] =	ssyncadd.s32 $0xFFFFFC00  }
0xa3: {  	_ =	swait.ge [sflag:s5], $0x400  }
0xa4: {  	[sflag:s5] =	ssyncset.done $0x0  }
0xa5: {  	[sflag:s5] =	ssyncadd.s32 $0xFFFFFC00  }
0xa6: {  	_ =	swait.ge [sflag:s5], $0x400  }
0xa7: {  	[sflag:s5] =	ssyncset.done $0x0  }
0xa8: {  	v22 =	vmov s8;
	[sflag:s5] =	ssyncadd.s32 $0xFFFFFC00  }
0xa9: {  	v22 =	vshll.u32 v22, $0x4;
	_ =	swait.ge [sflag:s5], $0x400  }
0xaa: {  	v22 =	vor.u32 v0, v22;
	[sflag:s5] =	ssyncset.done $0x0  }
0xab: {  	v23 =	vor.u32 $0x1, v22;
	[sflag:s5] =	ssyncadd.s32 $0xFFFFFC00  }
0xac: {  	v24 =	vor.u32 $0x9, v22;
	_ =	swait.ge [sflag:s5], $0x400  }
0xad: {  	v25 =	vor.u32 $0x8, v22;
	[sflag:s5] =	ssyncset.done $0x0  }
0xae: {  	v26 =	vor.u32 $0xA, v22;
	[sflag:s5] =	ssyncadd.s32 $0xFFFFFC00  }
0xaf: {  	v27 =	vor.u32 $0x2, v22;
	v28 =	vld.idx.msk [tilespmem:v22+s12+$0x0], $0xffff  }
0xb0: {  	v23 =	vld.idx.msk [tilespmem:v23+s12+$0x0], $0xffff  }
0xb1: {  	v24 =	vld.idx.msk [tilespmem:v24+s12+$0x0], $0xffff  }
0xb2: {  	v25 =	vld.idx.msk [tilespmem:v25+s12+$0x0], $0xffff  }
0xb3: {  	v26 =	vld.idx.msk [tilespmem:v26+s12+$0x0], $0xffff  }
0xb4: {  	v27 =	vld.idx.msk [tilespmem:v27+s12+$0x0], $0xffff;
	_ =	sdelay $0x2  }
0xb5: {  	v23 =	vsub.f32 v23, v24  }
0xb6: {  	v24 =	vsub.f32 v28, v25  }
0xb7: {  	v25 =	vsub.f32 v27, v26;
	v26 =	vmul.f32 v23, v5  }
0xb8: {  	s13 =	simm.s32 $0x10;
	v27 =	vmul.f32 v24, v2;
	v28 =	vmul.f32 v23, v4  }
0xb9: {  	v30 =	vmov s13;
	v29 =	vmul.f32 v24, v1;
	v24 =	vmul.f32 v24, v3  }
0xba: {  	v23 =	vmul.f32 v23, v6;
	v26 =	vadd.f32 v26, v27;
	v27 =	vmul.f32 v25, v8  }
0xbb: {  	v30 =	vshll.u32 v30, $0x4  }
0xbc: {  	v30 =	vor.u32 v0, v30;
	v23 =	vadd.f32 v23, v24;
	v26 =	vadd.f32 v27, v26  }
0xbd: {  	v27 =	vadd.f32 v28, v29;
	v28 =	vmul.f32 v25, v7;
	v25 =	vmul.f32 v25, v9  }
0xbe: {  	v59 =	vor.u32 $0x2, v30;
	v29 =	vadd.f32 $5.000000000e-01, v26  }
0xbf: {  	v27 =	vadd.f32 v28, v27;
	v25 =	vadd.f32 v25, v23;
	v23 =	vor.u32 $0xA, v30  }
0xc0: {  	v28 =	vtrunc.f32 v29  }
0xc1: {  	v31 =	vadd.f32 $5.000000000e-01, v27;
	v28 =	vcvt.f32.s32 v28  }
0xc2: {  	v33 =	vor.u32 $0x1, v30;
	v24 =	vor.u32 $0x9, v30;
	v34 =	vand.u32 $0x7FFFFFFF, v29  }
0xc3: {  	vm1 =	vge.f32 v34, $8.388608000e+06;
	v34 =	vld.idx.msk [tilespmem:v59+s12+$0x0], $0xffff;
	v32 =	vtrunc.f32 v31;
	v28 =	vcvt.s32.f32 v28  }
0xc4: {  	v36 =	vor.u32 $0x8, v30;
	v32 =	vcvt.f32.s32 v32;
	v40 =	vld.idx.msk [tilespmem:v23+s12+$0x0], $0xffff  }
0xc5: {  	v37 =	vor.u32 $0x3, v22;
	v35 =	vadd.f32 $-1.000000000e+00, v28  }
0xc6: {  	v60 =	vld.idx.msk [tilespmem:v30+s12+$0x0], $0xffff;
	v38 =	vadd.f32 $5.000000000e-01, v25;
	vm0 =	vlt.f32 v29, v28;
	v32 =	vcvt.s32.f32 v32  }
0xc7: {  	v39 =	vor.u32 $0xB, v22;
	v24 =	vld.idx.msk [tilespmem:v24+s12+$0x0], $0xffff;
	v61 =	vand.u32 $0x7FFFFFFF, v31;
	v28 =	vsel vm0, v35, v28  }
0xc8: {  	v63 =	vtrunc.f32 v38;
	v22 =	vadd.f32 $-1.000000000e+00, v32;
	v28 =	vsel vm1, v29, v28;
	v29 =	vld.idx.msk [tilespmem:v33+s12+$0x0], $0xffff  }
0xc9: {  	vm1 =	vlt.f32 v31, v32;
	v34 =	vsub.f32 v34, v40;
	v26 =	vsub.f32 v26, v28;
	v28 =	vld.idx.msk [tilespmem:v36+s12+$0x0], $0xffff  }
0xca: {  	v23 =	vcvt.f32.s32 v63;
	vm0 =	vge.f32 v61, $8.388608000e+06;
	v22 =	vsel vm1, v22, v32  }
0xcb: {  	v22 =	vsel vm0, v31, v22;
	v48 =	vmul.f32 v34, v8;
	v50 =	vmul.f32 v34, v7  }
0xcc: {  	v31 =	vand.u32 $0x7FFFFFFF, v38;
	v62 =	vmul.f32 v26, v13;
	v44 =	vmul.f32 v26, v15  }
0xcd: {  	v26 =	vmul.f32 v26, v14;
	vm0 =	vge.f32 v31, $8.388608000e+06;
	v27 =	vsub.f32 v27, v22  }
0xce: {  	v31 =	vcvt.s32.f32 v23;
	v24 =	vsub.f32 v29, v24;
	v28 =	vsub.f32 v60, v28  }
0xcf: {  	v22 =	vor.u32 $0x3, v30;
	v23 =	vor.u32 $0xB, v30;
	v29 =	vmul.f32 v27, v11  }
0xd0: {  	v30 =	vadd.f32 $-1.000000000e+00, v31;
	v45 =	vmul.f32 v24, v5;
	v46 =	vmul.f32 v28, v2  }
0xd1: {  	vm1 =	vlt.f32 v38, v31;
	v51 =	vmul.f32 v27, v10;
	v27 =	vmul.f32 v27, v12  }
0xd2: {  	v47 =	vmul.f32 v24, v4;
	v30 =	vsel vm1, v30, v31;
	v31 =	vadd.f32 v45, v46  }
0xd3: {  	v26 =	vadd.f32 v26, v29;
	v33 =	vadd.f32 v62, v51;
	v30 =	vsel vm0, v38, v30  }
0xd4: {  	v41 =	vmul.f32 v28, v1;
	v25 =	vsub.f32 v25, v30;
	v30 =	vadd.f32 v48, v31  }
0xd5: {  	v24 =	vmul.f32 v24, v6;
	v27 =	vadd.f32 v44, v27;
	v28 =	vmul.f32 v28, v3  }
0xd6: {  	v49 =	vadd.f32 v47, v41;
	v52 =	vmul.f32 v25, v16;
	v35 =	vadd.f32 $5.000000000e-01, v30  }
0xd7: {  	v24 =	vadd.f32 v24, v28;
	v53 =	vmul.f32 v25, v17;
	v25 =	vmul.f32 v25, v18  }
0xd8: {  	v29 =	vadd.f32 v50, v49;
	v31 =	vmul.f32 v34, v9;
	v54 =	vtrunc.f32 v35  }
0xd9: {  	v43 =	vadd.f32 v27, v25;
	v27 =	vadd.f32 v33, v52;
	v55 =	vcvt.f32.s32 v54  }
0xda: {  	s14 =	simm.s32 $0x20;
	v36 =	vadd.f32 $5.000000000e-01, v29;
	v28 =	vadd.f32 v31, v24  }
0xdb: {  	v24 =	vadd.f32 v26, v53;
	v26 =	vmov s14;
	v32 =	vcvt.s32.f32 v55  }
0xdc: {  	v26 =	vshll.u32 v26, $0x4;
	v56 =	vtrunc.f32 v36  }
0xdd: {  	v61 =	vmul.f32 v27, v27;
	v40 =	vcvt.f32.s32 v56;
	v25 =	vadd.f32 $-1.000000000e+00, v32  }
0xde: {  	v43 =	vmul.f32 v43, v43;
	v42 =	vand.u32 $0x7FFFFFFF, v35;
	vm1 =	vlt.f32 v35, v32  }
0xdf: {  	vm2 =	vge.f32 v42, $8.388608000e+06;
	v31 =	vcvt.s32.f32 v40;
	v25 =	vsel vm1, v25, v32  }
0xe0: {  	v57 =	vand.u32 $0x7FFFFFFF, v36;
	v32 =	vsel vm2, v35, v25;
	v25 =	vor.u32 v0, v26  }
0xe1: {  	v24 =	vmul.f32 v24, v24;
	v60 =	vadd.f32 $-1.000000000e+00, v31;
	v59 =	vor.u32 $0x1, v25  }
0xe2: {  	vm0 =	vge.f32 v57, $8.388608000e+06;
	vm1 =	vlt.f32 v36, v31;
	v44 =	vor.u32 $0x9, v25  }
0xe3: {  	v27 =	vld.idx.msk [tilespmem:v39+s12+$0x0], $0xffff;
	v24 =	vadd.f32 v24, v61;
	v62 =	vsel vm1, v60, v31;
	v35 =	vor.u32 $0x8, v25  }
0xe4: {  	v26 =	vld.idx.msk [tilespmem:v37+s12+$0x0], $0xffff;
	v58 =	vsub.f32 v30, v32;
	v30 =	vadd.f32 $5.000000000e-01, v28;
	v38 =	vor.u32 $0xA, v25  }
0xe5: {  	v24 =	vadd.f32 v24, v43;
	v34 =	vor.u32 $0x2, v25;
	v40 =	vsel vm0, v36, v62;
	v33 =	vld.idx.msk [tilespmem:v25+s12+$0x0], $0xffff  }
0xe6: {  	v32 =	vmul.f32 v58, v13;
	v31 =	vmul.f32 v58, v15;
	v63 =	vand.u32 $0x7FFFFFFF, v30;
	v36 =	vld.idx.msk [tilespmem:v59+s12+$0x0], $0xffff  }
0xe7: {  	s8 =	simm.s32 $0x30;
	v37 =	vmul.f32 v58, v14;
	v41 =	vtrunc.f32 v30;
	vm0 =	vge.f32 v63, $8.388608000e+06;
	v39 =	vld.idx.msk [tilespmem:v44+s12+$0x0], $0xffff  }
.LBB2_3:
0xe8: {  	p0 =	sne.s32 s8, $0x630;
	v42 =	vor.u32 $0x3, v25;
	v35 =	vld.idx.msk [tilespmem:v35+s12+$0x0], $0xffff;
	v29 =	vsub.f32 v29, v40;
	v40 =	vcvt.f32.s32 v41;
	s13 =	smov.u32 s8;
	s8 =	sadd.s32 $0x10, s8  }
0xe9: {  	v44 =	vmul.f32 v27, v26;
	v38 =	vld.idx.msk [tilespmem:v38+s12+$0x0], $0xffff;
	v41 =	vshra.s32 v24, $0x1;
	v43 =	vmul.f32 $5.000000000e-01, v24  }
0xea: {  	v26 =	vld.idx.msk [tilespmem:v34+s12+$0x0], $0xffff;
	v27 =	vcvt.s32.f32 v40;
	v34 =	vmul.f32 v29, v11;
	v40 =	vsub.s32 $0x5F3759DF, v41  }
0xeb: {  	v41 =	vor.u32 $0xB, v25;
	v25 =	vmul.f32 v29, v10;
	v45 =	vmul.f32 v40, v43  }
0xec: {  	vm1 =	vlt.f32 v30, v27;
	v46 =	vadd.f32 $-1.000000000e+00, v27;
	v34 =	vadd.f32 v37, v34  }
0xed: {  	v36 =	vsub.f32 v36, v39;
	v25 =	vadd.f32 v32, v25;
	v32 =	vmul.f32 v40, v45  }
0xee: {  	v29 =	vmul.f32 v29, v12;
	v33 =	vsub.f32 v33, v35;
	v27 =	vsel vm1, v46, v27  }
0xef: {  	v35 =	vmul.f32 v36, v4;
	v27 =	vsel vm0, v30, v27;
	v30 =	vsub.f32 $1.500000000e+00, v32  }
0xf0: {  	v37 =	vmul.f32 v36, v5;
	v26 =	vsub.f32 v26, v38;
	v32 =	vmul.f32 v33, v1  }
0xf1: {  	v38 =	vmul.f32 v33, v2;
	v27 =	vsub.f32 v28, v27;
	v28 =	vmul.f32 v40, v30  }
0xf2: {  	v31 =	vadd.f32 v31, v29;
	v30 =	vadd.f32 v35, v32;
	v32 =	vmul.f32 v26, v7  }
0xf3: {  	v35 =	vadd.f32 v37, v38;
	v37 =	vmul.f32 v26, v8;
	v38 =	vmul.f32 v28, v43  }
0xf4: {  	v26 =	vmul.f32 v26, v9;
	v29 =	vadd.f32 v32, v30;
	v30 =	vmul.f32 v27, v16  }
0xf5: {  	v33 =	vmul.f32 v33, v3;
	v32 =	vadd.f32 v37, v35;
	v35 =	vmul.f32 v38, v28  }
0xf6: {  	v36 =	vmul.f32 v36, v6;
	v37 =	vadd.f32 $5.000000000e-01, v29;
	v38 =	vmul.f32 v27, v17  }
0xf7: {  	v39 =	vadd.f32 $5.000000000e-01, v32;
	v27 =	vmul.f32 v27, v18;
	v35 =	vsub.f32 $1.500000000e+00, v35  }
0xf8: {  	vm0 =	vle.f32 v24, v19;
	v40 =	vtrunc.f32 v37;
	v45 =	vand.u32 $0x7FFFFFFF, v37  }
0xf9: {  	v24 =	vtrunc.f32 v39;
	v46 =	vand.u32 $0x7FFFFFFF, v39;
	v35 =	vmul.f32 v35, v28  }
0xfa: {  	v24 =	vcvt.f32.s32 v24;
	v28 =	vadd.f32 v36, v33;
	v36 =	vadd.f32 v31, v27  }
0xfb: {  	vm1 =	vge.f32 v45, $8.388608000e+06;
	v27 =	vcvt.f32.s32 v40;
	v31 =	vmul.f32 v35, v43  }
0xfc: {  	v24 =	vcvt.s32.f32 v24;
	v28 =	vadd.f32 v26, v28;
	v26 =	vadd.f32 v34, v38  }
0xfd: {  	v33 =	vcvt.s32.f32 v27;
	v27 =	vadd.f32 v25, v30;
	v25 =	vmul.f32 v31, v35  }
0xfe: {  	vm2 =	vlt.f32 v39, v24;
	v30 =	vadd.f32 $-1.000000000e+00, v24;
	v40 =	vmul.f32 v26, v26  }
0xff: {  	vm4 =	vge.f32 v46, $8.388608000e+06;
	vm3 =	vlt.f32 v37, v33;
	v25 =	vsub.f32 $1.500000000e+00, v25  }
0x100: {  	v26 =	vmov s13;
	v24 =	vsel vm2, v30, v24;
	v30 =	vadd.f32 $5.000000000e-01, v28  }
0x101: {  	v26 =	vshll.u32 v26, $0x4;
	v24 =	vsel vm4, v39, v24;
	v31 =	vmul.f32 v25, v35  }
0x102: {  	v39 =	vadd.f32 $-1.000000000e+00, v33;
	v24 =	vsub.f32 v32, v24;
	v25 =	vor.u32 v0, v26  }
0x103: {  	v35 =	vor.u32 $0x8, v25;
	v43 =	vor.u32 $0x1, v25;
	v31 =	vsub.f32 v31, v20  }
0x104: {  	v46 =	vmul.f32 v27, v27;
	v45 =	vor.u32 $0x9, v25;
	v32 =	vmul.f32 v24, v13;
	v26 =	vld.idx.msk [tilespmem:v22+s12+$0x0], $0xffff;
	v22 =	vmovc v42  }
.Ltmp0:
0x105: {  	v34 =	vor.u32 $0x2, v25;
	v38 =	vor.u32 $0xA, v25;
	v27 =	vld.idx.msk [tilespmem:v23+s12+$0x0], $0xffff;
	v42 =	vmul.f32 v31, v44;
	v23 =	vmovc v41;
	(pc) =	sbr.rel @p0 .LBB2_3-.Ltmp0, $4  }
0x106: {  	v39 =	vsel vm3, v39, v33;
	v31 =	vmul.f32 v24, v15;
	v44 =	vadd.f32 v40, v46  }
0x107: {  	v40 =	vsel vm1, v37, v39;
	v46 =	vmul.f32 v36, v36;
	v33 =	vld.idx.msk [tilespmem:v25+s12+$0x0], $0xffff;
	v39 =	vnsel vm0, $0x0, v42  }
0x108: {  	v37 =	vmul.f32 v24, v14;
	v42 =	vand.u32 $0x7FFFFFFF, v30;
	v36 =	vld.idx.msk [tilespmem:v43+s12+$0x0], $0xffff;
	v21 =	vadd.f32 v39, v21  }
0x109: {  	v41 =	vtrunc.f32 v30;
	v24 =	vadd.f32 v44, v46;
	vm0 =	vge.f32 v42, $8.388608000e+06;
	v39 =	vld.idx.msk [tilespmem:v45+s12+$0x0], $0xffff  }
0x10a: {  	_ =	sdelay $0x3  }
0x10b: {  	v35 =	vld.idx.msk [tilespmem:v35+s12+$0x0], $0xffff  }
0x10c: {  	v38 =	vld.idx.msk [tilespmem:v38+s12+$0x0], $0xffff;
	v59 =	vcvt.f32.s32 v41  }
0x10d: {  	v34 =	vld.idx.msk [tilespmem:v34+s12+$0x0], $0xffff  }
0x10e: {  	v29 =	vsub.f32 v29, v40;
	v40 =	vcvt.s32.f32 v59  }
0x10f: {  	v36 =	vsub.f32 v36, v39  }
0x110: {  	v60 =	vmul.f32 v29, v11;
	vm1 =	vlt.f32 v30, v40  }
0x111: {  	v61 =	vadd.f32 $-1.000000000e+00, v40;
	v33 =	vsub.f32 v33, v35;
	v62 =	vmul.f32 v36, v5  }
0x112: {  	v34 =	vsub.f32 v34, v38;
	v45 =	vmul.f32 v36, v4;
	v36 =	vmul.f32 v36, v6  }
0x113: {  	v35 =	vsel vm1, v61, v40;
	v63 =	vmul.f32 v33, v2;
	v46 =	vmul.f32 v33, v1  }
0x114: {  	v47 =	vmul.f32 v34, v8;
	v48 =	vsel vm0, v30, v35;
	v33 =	vmul.f32 v33, v3  }
0x115: {  	v50 =	vmul.f32 v34, v7;
	v38 =	vadd.f32 v62, v63;
	v49 =	vadd.f32 v45, v46  }
0x116: {  	v34 =	vmul.f32 v34, v9;
	v28 =	vsub.f32 v28, v48;
	v33 =	vadd.f32 v36, v33  }
0x117: {  	v42 =	vmul.f32 v29, v10;
	v38 =	vadd.f32 v47, v38;
	v51 =	vadd.f32 v50, v49  }
0x118: {  	v29 =	vmul.f32 v29, v12;
	v37 =	vadd.f32 v37, v60;
	v33 =	vadd.f32 v34, v33  }
0x119: {  	v53 =	vmul.f32 v28, v16;
	v52 =	vadd.f32 $5.000000000e-01, v38;
	v54 =	vadd.f32 $5.000000000e-01, v51  }
0x11a: {  	v29 =	vadd.f32 v31, v29;
	v55 =	vmul.f32 v28, v17;
	v28 =	vmul.f32 v28, v18  }
0x11b: {  	v59 =	vadd.f32 $5.000000000e-01, v33;
	v56 =	vtrunc.f32 v52;
	v57 =	vtrunc.f32 v54  }
0x11c: {  	v32 =	vadd.f32 v32, v42;
	v58 =	vcvt.f32.s32 v56;
	v31 =	vcvt.f32.s32 v57  }
0x11d: {  	v28 =	vadd.f32 v29, v28;
	v37 =	vadd.f32 v37, v55;
	v62 =	vtrunc.f32 v59  }
0x11e: {  	v60 =	vand.u32 $0x7FFFFFFF, v54;
	v34 =	vcvt.s32.f32 v58;
	v61 =	vcvt.s32.f32 v31  }
0x11f: {  	v43 =	vand.u32 $0x7FFFFFFF, v52;
	v42 =	vand.u32 $0x7FFFFFFF, v59;
	v31 =	vcvt.f32.s32 v62  }
0x120: {  	vm9 =	vge.f32 v60, $8.388608000e+06;
	v63 =	vadd.f32 $-1.000000000e+00, v34;
	v44 =	vadd.f32 $-1.000000000e+00, v61  }
0x121: {  	vm10 =	vlt.f32 v52, v34;
	vm2 =	vlt.f32 v54, v61;
	v31 =	vcvt.s32.f32 v31  }
0x122: {  	vm3 =	vge.f32 v43, $8.388608000e+06;
	v34 =	vsel vm10, v63, v34;
	v29 =	vsel vm2, v44, v61  }
0x123: {  	v40 =	vadd.f32 $-1.000000000e+00, v31;
	v34 =	vsel vm3, v52, v34;
	v29 =	vsel vm9, v54, v29  }
0x124: {  	vm11 =	vlt.f32 v59, v31;
	v34 =	vsub.f32 v38, v34;
	v29 =	vsub.f32 v51, v29  }
0x125: {  	v43 =	vadd.f32 v32, v53;
	vm12 =	vge.f32 v42, $8.388608000e+06;
	v31 =	vsel vm11, v40, v31  }
0x126: {  	v31 =	vsel vm12, v59, v31;
	v44 =	vmul.f32 v34, v14;
	v45 =	vmul.f32 v29, v11  }
0x127: {  	v46 =	vmul.f32 v34, v13;
	v47 =	vmul.f32 v29, v10;
	v31 =	vsub.f32 v33, v31  }
0x128: {  	v48 =	vmul.f32 v34, v15;
	v29 =	vmul.f32 v29, v12;
	v32 =	vadd.f32 v44, v45  }
0x129: {  	v49 =	vadd.f32 v46, v47;
	v50 =	vmul.f32 v31, v16;
	v51 =	vmul.f32 v31, v17  }
0x12a: {  	v37 =	vmul.f32 v37, v37;
	v30 =	vmul.f32 v43, v43;
	v29 =	vadd.f32 v48, v29  }
0x12b: {  	v31 =	vmul.f32 v31, v18;
	v32 =	vadd.f32 v32, v51;
	v52 =	vadd.f32 v49, v50  }
0x12c: {  	v28 =	vmul.f32 v28, v28;
	v30 =	vadd.f32 v37, v30  }
0x12d: {  	v29 =	vadd.f32 v29, v31;
	v54 =	vmul.f32 v32, v32;
	v55 =	vmul.f32 v52, v52  }
0x12e: {  	v53 =	vshra.s32 v24, $0x1;
	v56 =	vmul.f32 $5.000000000e-01, v24;
	v28 =	vadd.f32 v30, v28  }
0x12f: {  	v34 =	vsub.s32 $0x5F3759DF, v53;
	v29 =	vmul.f32 v29, v29;
	v57 =	vadd.f32 v54, v55  }
0x130: {  	v58 =	vmul.f32 v34, v56  }
0x131: {  	v60 =	vmul.f32 $5.000000000e-01, v28;
	v59 =	vshra.s32 v28, $0x1;
	v29 =	vadd.f32 v57, v29  }
0x132: {  	v62 =	vsub.s32 $0x5F3759DF, v59;
	v61 =	vmul.f32 v34, v58  }
0x133: {  	v32 =	vmul.f32 v62, v60;
	v63 =	vshra.s32 v29, $0x1;
	v40 =	vmul.f32 $5.000000000e-01, v29  }
0x134: {  	v30 =	vsub.f32 $1.500000000e+00, v61;
	v36 =	vsub.s32 $0x5F3759DF, v63  }
0x135: {  	v32 =	vmul.f32 v62, v32;
	v41 =	vmul.f32 v36, v40  }
0x136: {  	v30 =	vmul.f32 v34, v30  }
0x137: {  	v32 =	vsub.f32 $1.500000000e+00, v32;
	v42 =	vmul.f32 v36, v41  }
0x138: {  	v43 =	vmul.f32 v30, v56  }
0x139: {  	v31 =	vmul.f32 v62, v32;
	v44 =	vsub.f32 $1.500000000e+00, v42  }
0x13a: {  	v45 =	vmul.f32 v43, v30  }
0x13b: {  	v46 =	vmul.f32 v31, v60;
	v32 =	vmul.f32 v36, v44  }
0x13c: {  	v34 =	vsub.f32 $1.500000000e+00, v45  }
0x13d: {  	v47 =	vmul.f32 v46, v31;
	v48 =	vmul.f32 v32, v40  }
0x13e: {  	v30 =	vmul.f32 v34, v30  }
0x13f: {  	v49 =	vsub.f32 $1.500000000e+00, v47;
	v50 =	vmul.f32 v48, v32  }
0x140: {  	v33 =	vmul.f32 v30, v56  }
0x141: {  	v31 =	vmul.f32 v49, v31;
	v51 =	vsub.f32 $1.500000000e+00, v50  }
0x142: {  	v53 =	vor.u32 $0xB, v25;
	v33 =	vmul.f32 v33, v30  }
0x143: {  	v52 =	vor.u32 $0x3, v25;
	v35 =	vmul.f32 v31, v60;
	v32 =	vmul.f32 v51, v32  }
0x144: {  	v33 =	vsub.f32 $1.500000000e+00, v33  }
0x145: {  	v22 =	vld.idx.msk [tilespmem:v22+s12+$0x0], $0xffff;
	v54 =	vmul.f32 v35, v31;
	v55 =	vmul.f32 v32, v40  }
0x146: {  	v23 =	vld.idx.msk [tilespmem:v23+s12+$0x0], $0xffff;
	v30 =	vmul.f32 v33, v30  }
0x147: {  	v25 =	vld.idx.msk [tilespmem:v53+s12+$0x0], $0xffff;
	v56 =	vsub.f32 $1.500000000e+00, v54;
	v35 =	vmul.f32 v55, v32  }
0x148: {  	v26 =	vmul.f32 v27, v26;
	v57 =	vld.idx.msk [tilespmem:v52+s12+$0x0], $0xffff;
	v58 =	vsub.f32 v30, v20  }
0x149: {  	v59 =	vmul.f32 v56, v31;
	v60 =	vsub.f32 $1.500000000e+00, v35  }
0x14a: {  	vm13 =	vle.f32 v24, v19;
	v61 =	vmul.f32 v58, v26  }
0x14b: {  	v22 =	vmul.f32 v23, v22;
	v23 =	vsub.f32 v59, v20;
	v62 =	vmul.f32 v60, v32  }
0x14c: {  	s7 =	sadd.s32 $0x1, s7;
	v24 =	vnsel vm13, $0x0, v61  }
0x14d: {  	p0 =	sne.s32 s7, $0x7D;
	v22 =	vmul.f32 v23, v22;
	v23 =	vmul.f32 v25, v57;
	v63 =	vsub.f32 v62, v20  }
.Ltmp1:
0x14e: {  	vm14 =	vle.f32 v28, v19;
	v21 =	vadd.f32 v24, v21;
	(pc) =	sbr.rel @p0 .LBB2_2-.Ltmp1, $4  }
0x14f: {  	v22 =	vnsel vm14, $0x0, v22;
	v23 =	vmul.f32 v63, v23  }
0x150: {  	vm15 =	vle.f32 v29, v19;
	v21 =	vadd.f32 v22, v21  }
0x151: {  	v22 =	vnsel vm15, $0x0, v23  }
0x152: {  	v21 =	vadd.f32 v22, v21  }
0x153: {  	_ = 	snop  }
0x154: {  	s7 =	simm.s32 $0x0;
	s8 =	rddreg [dreg:$0x3];
	s13 =	simm.s32 $0x71C0;
	[tilespmem:$0x71C0] =	vst v21  }
0x155: {  	[hbm4b:s8+s7] =	stream.linear.scatter [tilespmem:s13], [sflag:$0x2], $0x10, $0x38;
	[tilespmem:$0x71D0] =	vst v63  }
0x156: {  	_ =	swait.ge [sflag:s10], $0x10  }
0x157: {  	s8 =	rddreg [dreg:$0x5]  }
0x158: {  	s14 =	rddreg [dreg:$0x4];
	s13 =	sadd.s32 $0x1, s8  }
0x159: {  	p0 =	sne.s32 s13, s14  }
.Ltmp2:
0x15a: {  	_ = 	snop;
	(pc) =	sbr.rel @p0 .LBB2_1-.Ltmp2, $3  }
0x15b: {  	_ =	sdelay $0x1  }
0x15c: {  	[sflag:s10] =	ssyncset.done $0x0  }
0x15d: {  	[sflag:s10] =	ssyncadd.s32 $0xFFFFFFF0  }
0x15e: {  	_ =	sfence.sel $0x180000  }
0x15f: {  	[bflag:$0x0] =	sbarrier.arrive $0xFFFF  }
0x160: {  	_ =	strace $0x90000047  }
0x161: {  	s0 =	stileid.u32;
	[bflag:$0x2] =	sbarrier.arrive $0xFFFF  }
0x162: {  	p0 =	sne.s32 s0, $0x0;
	s0 =	rddreg [dreg:$0x1]  }
0x163: {  	s0 =	sadd.s32 @!p0 $0x100000, s0  }
0x164: {  	[sflag:s0] =	ssyncadd.tile.s32 @!p0 $0x1;
	_ =	shalt  }
.Lfunc_end2:
_tile_overlayer_lowered:
.L_overlay_start_2:
0x165: {  	(tag) =	ssettag $0x2  }
0x166: {  	s0 =	rddreg [dreg:$0x0];
	s2 =	stileid.u32  }
0x167: {  	s1 =	rddreg [dreg:$0x1];
	p0 =	sne.s32 s2, $0x0  }
0x168: {  	s3 =	rddreg [dreg:$0x2];
	[bflag:$0x3] =	sbarrier.arrive $0xFFFF;
	s2 =	simm.s32 @!p0 $0x1C02  }
0x169: {  	[timem:s3], [sflag:s2] =	dma.local @!p0 [hbm:s0], s1  }
0x16a: {  	s0 =	simm.s32 @!p0 $0x2  }
0x16b: {  	_ =	swait.ge @!p0 [sflag:s0], s1  }
0x16c: {  	s1 =	ssub.s32 @!p0 $0x0, s1;
	[sflag:s0] =	ssyncset.done @!p0 $0x0  }
0x16d: {  	[sflag:s0] =	ssyncadd.s32 @!p0 s1  }
0x16e: {  	[bflag:$0x3] =	sbarrier.arrive $0xFFFF  }
0x16f: {  	_ =	shalt  }

</sc_bundles>
